<compile_context>
chip_gen: v7x
topology: tpu7x:2x2x1
jax: 0.10.2.dev20260603
libtpu: 0.0.44.dev20260713+nightly
codegen_flags: <defaults>
</compile_context>

<pallas_src>
import functools

import jax
import jax.numpy as jnp
from jax import lax
from jax.experimental import pallas as pl
from jax.experimental.pallas import tpu as pltpu
from jax.experimental.pallas import tpu_sc as plsc

B, C, T = 16, 512, 4096
NC, NS = 2, 16
NW = NC * NS
ROWS_PER_W = (B * C) // NW
HALF = C // 2
G = 8
NCHUNK = ROWS_PER_W // G
NBUF = 3
NMAIN = (NCHUNK // NBUF) * NBUF

_MESH = plsc.VectorSubcoreMesh(core_axis_name="c", subcore_axis_name="s")


@functools.partial(
    pl.kernel,
    out_type=jax.ShapeDtypeStruct((B * C, T), jnp.float32),
    mesh=_MESH,
    scratch_types=[
        pltpu.VMEM((ROWS_PER_W,), jnp.int32),
        pltpu.VMEM((NBUF, G, T), jnp.float32),
        [pltpu.SemaphoreType.DMA] * NBUF,
        [pltpu.SemaphoreType.DMA] * NBUF,
    ],
)
def _shuffle_sc(x_hbm, perm_hbm, out_hbm, idx_v, buf_v, gsems, wsems):
    wid = lax.axis_index("c") * NS + lax.axis_index("s")
    b = wid // 2
    h = wid % 2
    row0 = b * C + h * HALF

    pltpu.sync_copy(perm_hbm.at[pl.ds(h * HALF, HALF)], idx_v)
    off = b * C
    for i in range(ROWS_PER_W // 16):
        idx_v[pl.ds(i * 16, 16)] = idx_v[pl.ds(i * 16, 16)] + off

    def _gather(k, p):
        s = pl.multiple_of(k * G, 8)
        return pltpu.make_async_copy(x_hbm.at[idx_v.at[pl.ds(s, G)]],
                                     buf_v.at[p], gsems[p])

    def _write(k, p):
        return pltpu.make_async_copy(buf_v.at[p],
                                     out_hbm.at[pl.ds(row0 + k * G, G)],
                                     wsems[p])

    @pl.loop(0, NMAIN, step=NBUF)
    def _chunks(g):
        for p in range(NBUF):
            k = g + p
            @pl.when(g > 0)
            def _():
                _write(k - NBUF, p).wait()

            _gather(k, p).start()

            q = k - (NBUF - 1)
            pq = (p + 1) % NBUF

            def _drain():
                _gather(q, pq).wait()
                _write(q, pq).start()

            if p == NBUF - 1:
                _drain()
            else:
                pl.when(g > 0)(_drain)

    for k in range(NMAIN, NCHUNK):
        p = k % NBUF
        _write(k - NBUF, p).wait()
        _gather(k, p).start()
        q = k - (NBUF - 1)
        _gather(q, q % NBUF).wait()
        _write(q, q % NBUF).start()
    for q in range(max(NCHUNK - (NBUF - 1), NMAIN - (NBUF - 1)), NCHUNK):
        p = q % NBUF
        _gather(q, p).wait()
        _write(q, p).start()
    for q in range(NCHUNK - NBUF, NCHUNK):
        _write(q, q % NBUF).wait()


def kernel(x, perm):
    x2 = x.reshape(B * C, T)
    out2 = _shuffle_sc(x2, perm)
    return out2.reshape(B, C, T)

# --- scband reference (transcript-rebuilt; emitter-appended) ---
"""Pipeline reference for scband-shuffle-6004364279949 (READ-ONLY COPY).

The authoritative reference and input builder live on the scoring server;
editing this copy changes nothing except your own understanding.
"""

import jax, jax.numpy as jnp
import numpy as np


def setup_inputs(seed: int = 0) -> dict:
    key = jax.random.key(seed)
    kx, kp = jax.random.split(key)
    B, C, T = 16, 512, 4096
    x = jax.random.normal(kx, (B, C, T), dtype=jnp.float32)
    # Deterministic stand-in for torch.randperm(C) on the training path
    # (prob=0.5 branch taken). perm is an int constant, not a learned param.
    perm = jax.random.permutation(kp, C).astype(jnp.int32)
    return {"x": x, "perm": perm}


def reference(x, perm):
    # Training-path behavior of Shuffle: permute the channel axis.
    # Equivalent to torch: x[:, perm, :]
    return jnp.take(x, perm, axis=1)

if __name__ == "__main__":
    import jax
    _d = setup_inputs()
    print(jax.jit(kernel)(*tuple(_d.values())))

</pallas_src>

<mosaic_0001>
#map = affine_map<(d0, d1) -> (0, 0)>
#map1 = affine_map<(d0, d1) -> (0)>
module attributes {stable_mosaic.version = 14 : i64} {
  func.func @_shuffle_sc(%arg0: i32, %arg1: i32, %arg2: memref<8192x4096xf32, #tpu.memory_space<hbm>>, %arg3: memref<512xi32, #tpu.memory_space<hbm>>, %arg4: memref<8192x4096xf32, #tpu.memory_space<hbm>>, %arg5: memref<256xi32, #tpu.memory_space<vmem>>, %arg6: memref<3x8x4096xf32, #tpu.memory_space<vmem>>, %arg7: memref<!tpu.dma_semaphore, #tpu.memory_space<semaphore_mem>>, %arg8: memref<!tpu.dma_semaphore, #tpu.memory_space<semaphore_mem>>, %arg9: memref<!tpu.dma_semaphore, #tpu.memory_space<semaphore_mem>>, %arg10: memref<!tpu.dma_semaphore, #tpu.memory_space<semaphore_mem>>, %arg11: memref<!tpu.dma_semaphore, #tpu.memory_space<semaphore_mem>>, %arg12: memref<!tpu.dma_semaphore, #tpu.memory_space<semaphore_mem>>) attributes {dimension_semantics = [#tpu.dimension_semantics<core_parallel>, #tpu.dimension_semantics<subcore_parallel>], iteration_bounds = array<i64: 2, 16>, scalar_prefetch = 0 : i64, scratch_operands = 8 : i64, tpu.core_type = #tpu.core_type<sc_vector_subcore>, window_params = [{transform_indices = #map}, {transform_indices = #map1}, {transform_indices = #map}]} {
    %mul3A = arith.constant 16 : i32
    %mul3A_0 = arith.muli %arg0, %mul3A : i32
    %add3A = arith.addi %mul3A_0, %arg1 : i32
    %jit3A = arith.constant 2 : i32
    %div3A = arith.divsi %add3A, %jit3A : i32
    %sign3A = arith.constant 0 : i32
    %sign3A_1 = arith.cmpi sgt, %add3A, %sign3A : i32
    %sign3A_2 = arith.extui %sign3A_1 : i1 to i32
    %sign3A_3 = arith.constant 0 : i32
    %sign3A_4 = arith.cmpi slt, %add3A, %sign3A_3 : i32
    %sign3A_5 = arith.extui %sign3A_4 : i1 to i32
    %sign3A_6 = arith.subi %sign3A_2, %sign3A_5 : i32
    %sign3A_7 = arith.constant 0 : i32
    %sign3A_8 = arith.cmpi sgt, %jit3A, %sign3A_7 : i32
    %sign3A_9 = arith.extui %sign3A_8 : i1 to i32
    %sign3A_10 = arith.constant 0 : i32
    %sign3A_11 = arith.cmpi slt, %jit3A, %sign3A_10 : i32
    %sign3A_12 = arith.extui %sign3A_11 : i1 to i32
    %sign3A_13 = arith.subi %sign3A_9, %sign3A_12 : i32
    %ne3A = arith.cmpi ne, %sign3A_6, %sign3A_13 : i32
    %rem3A = arith.remsi %add3A, %jit3A : i32
    %ne3A_14 = arith.constant 0 : i32
    %ne3A_15 = arith.cmpi ne, %rem3A, %ne3A_14 : i32
    %and3A = arith.andi %ne3A, %ne3A_15 : i1
    %sub3A = arith.constant 1 : i32
    %sub3A_16 = arith.subi %div3A, %sub3A : i32
    %select_n3A = arith.select %and3A, %sub3A_16, %div3A : i32
    %jit3A_17 = arith.constant 2 : i32
    %eq3A = arith.constant 0 : i32
    %eq3A_18 = arith.cmpi eq, %jit3A_17, %eq3A : i32
    %jit3A_19 = arith.constant 1 : i32
    %select_n3A_20 = arith.select %eq3A_18, %jit3A_19, %jit3A_17 : i32
    %rem3A_21 = arith.remsi %add3A, %select_n3A_20 : i32
    %ne3A_22 = arith.constant 0 : i32
    %ne3A_23 = arith.cmpi ne, %rem3A_21, %ne3A_22 : i32
    %lt3A = arith.constant 0 : i32
    %lt3A_24 = arith.cmpi slt, %rem3A_21, %lt3A : i32
    %lt3A_25 = arith.constant 0 : i32
    %lt3A_26 = arith.cmpi slt, %select_n3A_20, %lt3A_25 : i32
    %ne3A_27 = arith.xori %lt3A_24, %lt3A_26 : i1
    %and3A_28 = arith.andi %ne3A_27, %ne3A_23 : i1
    %add3A_29 = arith.addi %rem3A_21, %select_n3A_20 : i32
    %select_n3A_30 = arith.select %and3A_28, %add3A_29, %rem3A_21 : i32
    %mul3A_31 = arith.constant 512 : i32
    %mul3A_32 = arith.muli %select_n3A, %mul3A_31 : i32
    %mul3A_33 = arith.constant 256 : i32
    %mul3A_34 = arith.muli %select_n3A_30, %mul3A_33 : i32
    %add3A_35 = arith.addi %mul3A_32, %mul3A_34 : i32
    %mul3A_36 = arith.constant 256 : i32
    %mul3A_37 = arith.muli %select_n3A_30, %mul3A_36 : i32
    "tpu.region"() ({
      %run_scoped3A = tpu.sem_alloc : memref<!tpu.dma_semaphore, #tpu.memory_space<semaphore_mem>>
      %dma_start3A_384 = tpu.memref_slice %arg3[%mul3A_37] : memref<512xi32, #tpu.memory_space<hbm>> -> memref<256xi32, #tpu.memory_space<hbm>>
      %dma_start3A_385 = tpu.memref_slice %arg3[%mul3A_37] : memref<512xi32, #tpu.memory_space<hbm>> -> memref<256xi32, #tpu.memory_space<hbm>>
      tpu.enqueue_dma source(%dma_start3A_385 : memref<256xi32, #tpu.memory_space<hbm>>) target(%arg5 : memref<256xi32, #tpu.memory_space<vmem>>) target_semaphore(%run_scoped3A : memref<!tpu.dma_semaphore, #tpu.memory_space<semaphore_mem>>)
      %dma_wait3A_386 = tpu.memref_slice %arg3[%mul3A_37] : memref<512xi32, #tpu.memory_space<hbm>> -> memref<256xi32, #tpu.memory_space<hbm>>
      %dma_wait3A_387 = tpu.memref_slice %arg3[%mul3A_37] : memref<512xi32, #tpu.memory_space<hbm>> -> memref<256xi32, #tpu.memory_space<hbm>>
      tpu.wait_dma2 semaphore(%run_scoped3A : memref<!tpu.dma_semaphore, #tpu.memory_space<semaphore_mem>>) src(%dma_wait3A_387 : memref<256xi32, #tpu.memory_space<hbm>>) dst(%arg5 : memref<256xi32, #tpu.memory_space<vmem>>)
      tpu.yield
    }) : () -> ()
    %mul3A_38 = arith.constant 512 : i32
    %mul3A_39 = arith.muli %select_n3A, %mul3A_38 : i32
    %get3A = arith.constant 0 : index
    %get3A_40 = tpu.vector_load %arg5[%get3A] {strides = array<i32>} : memref<256xi32, #tpu.memory_space<vmem>>, vector<16xi32>,
    %get3A_41 = vector.shape_cast %get3A_40 : vector<16xi32> to vector<16xi32>
    %add3A_42 = vector.broadcast %mul3A_39 : i32 to vector<16xi32>
    %add3A_43 = arith.addi %get3A_41, %add3A_42 : vector<16xi32>
    %swap3A = arith.constant 0 : index
    %swap3A_44 = tpu.vector_load %arg5[%swap3A] {strides = array<i32>} : memref<256xi32, #tpu.memory_space<vmem>>, vector<16xi32>,
    %swap3A_45 = vector.shape_cast %swap3A_44 : vector<16xi32> to vector<16xi32>
    %swap3A_46 = vector.shape_cast %add3A_43 : vector<16xi32> to vector<16xi32>
    tpu.vector_store %arg5[%swap3A], %swap3A_46 {strides = array<i32>} : memref<256xi32, #tpu.memory_space<vmem>>, vector<16xi32>,
    %get3A_47 = arith.constant 16 : index
    %get3A_48 = tpu.vector_load %arg5[%get3A_47] {strides = array<i32>} : memref<256xi32, #tpu.memory_space<vmem>>, vector<16xi32>,
    %get3A_49 = vector.shape_cast %get3A_48 : vector<16xi32> to vector<16xi32>
    %add3A_50 = vector.broadcast %mul3A_39 : i32 to vector<16xi32>
    %add3A_51 = arith.addi %get3A_49, %add3A_50 : vector<16xi32>
    %swap3A_52 = arith.constant 16 : index
    %swap3A_53 = tpu.vector_load %arg5[%swap3A_52] {strides = array<i32>} : memref<256xi32, #tpu.memory_space<vmem>>, vector<16xi32>,
    %swap3A_54 = vector.shape_cast %swap3A_53 : vector<16xi32> to vector<16xi32>
    %swap3A_55 = vector.shape_cast %add3A_51 : vector<16xi32> to vector<16xi32>
    tpu.vector_store %arg5[%swap3A_52], %swap3A_55 {strides = array<i32>} : memref<256xi32, #tpu.memory_space<vmem>>, vector<16xi32>,
    %get3A_56 = arith.constant 32 : index
    %get3A_57 = tpu.vector_load %arg5[%get3A_56] {strides = array<i32>} : memref<256xi32, #tpu.memory_space<vmem>>, vector<16xi32>,
    %get3A_58 = vector.shape_cast %get3A_57 : vector<16xi32> to vector<16xi32>
    %add3A_59 = vector.broadcast %mul3A_39 : i32 to vector<16xi32>
    %add3A_60 = arith.addi %get3A_58, %add3A_59 : vector<16xi32>
    %swap3A_61 = arith.constant 32 : index
    %swap3A_62 = tpu.vector_load %arg5[%swap3A_61] {strides = array<i32>} : memref<256xi32, #tpu.memory_space<vmem>>, vector<16xi32>,
    %swap3A_63 = vector.shape_cast %swap3A_62 : vector<16xi32> to vector<16xi32>
    %swap3A_64 = vector.shape_cast %add3A_60 : vector<16xi32> to vector<16xi32>
    tpu.vector_store %arg5[%swap3A_61], %swap3A_64 {strides = array<i32>} : memref<256xi32, #tpu.memory_space<vmem>>, vector<16xi32>,
    %get3A_65 = arith.constant 48 : index
    %get3A_66 = tpu.vector_load %arg5[%get3A_65] {strides = array<i32>} : memref<256xi32, #tpu.memory_space<vmem>>, vector<16xi32>,
    %get3A_67 = vector.shape_cast %get3A_66 : vector<16xi32> to vector<16xi32>
    %add3A_68 = vector.broadcast %mul3A_39 : i32 to vector<16xi32>
    %add3A_69 = arith.addi %get3A_67, %add3A_68 : vector<16xi32>
    %swap3A_70 = arith.constant 48 : index
    %swap3A_71 = tpu.vector_load %arg5[%swap3A_70] {strides = array<i32>} : memref<256xi32, #tpu.memory_space<vmem>>, vector<16xi32>,
    %swap3A_72 = vector.shape_cast %swap3A_71 : vector<16xi32> to vector<16xi32>
    %swap3A_73 = vector.shape_cast %add3A_69 : vector<16xi32> to vector<16xi32>
    tpu.vector_store %arg5[%swap3A_70], %swap3A_73 {strides = array<i32>} : memref<256xi32, #tpu.memory_space<vmem>>, vector<16xi32>,
    %get3A_74 = arith.constant 64 : index
    %get3A_75 = tpu.vector_load %arg5[%get3A_74] {strides = array<i32>} : memref<256xi32, #tpu.memory_space<vmem>>, vector<16xi32>,
    %get3A_76 = vector.shape_cast %get3A_75 : vector<16xi32> to vector<16xi32>
    %add3A_77 = vector.broadcast %mul3A_39 : i32 to vector<16xi32>
    %add3A_78 = arith.addi %get3A_76, %add3A_77 : vector<16xi32>
    %swap3A_79 = arith.constant 64 : index
    %swap3A_80 = tpu.vector_load %arg5[%swap3A_79] {strides = array<i32>} : memref<256xi32, #tpu.memory_space<vmem>>, vector<16xi32>,
    %swap3A_81 = vector.shape_cast %swap3A_80 : vector<16xi32> to vector<16xi32>
    %swap3A_82 = vector.shape_cast %add3A_78 : vector<16xi32> to vector<16xi32>
    tpu.vector_store %arg5[%swap3A_79], %swap3A_82 {strides = array<i32>} : memref<256xi32, #tpu.memory_space<vmem>>, vector<16xi32>,
    %get3A_83 = arith.constant 80 : index
    %get3A_84 = tpu.vector_load %arg5[%get3A_83] {strides = array<i32>} : memref<256xi32, #tpu.memory_space<vmem>>, vector<16xi32>,
    %get3A_85 = vector.shape_cast %get3A_84 : vector<16xi32> to vector<16xi32>
    %add3A_86 = vector.broadcast %mul3A_39 : i32 to vector<16xi32>
    %add3A_87 = arith.addi %get3A_85, %add3A_86 : vector<16xi32>
    %swap3A_88 = arith.constant 80 : index
    %swap3A_89 = tpu.vector_load %arg5[%swap3A_88] {strides = array<i32>} : memref<256xi32, #tpu.memory_space<vmem>>, vector<16xi32>,
    %swap3A_90 = vector.shape_cast %swap3A_89 : vector<16xi32> to vector<16xi32>
    %swap3A_91 = vector.shape_cast %add3A_87 : vector<16xi32> to vector<16xi32>
    tpu.vector_store %arg5[%swap3A_88], %swap3A_91 {strides = array<i32>} : memref<256xi32, #tpu.memory_space<vmem>>, vector<16xi32>,
    %get3A_92 = arith.constant 96 : index
    %get3A_93 = tpu.vector_load %arg5[%get3A_92] {strides = array<i32>} : memref<256xi32, #tpu.memory_space<vmem>>, vector<16xi32>,
    %get3A_94 = vector.shape_cast %get3A_93 : vector<16xi32> to vector<16xi32>
    %add3A_95 = vector.broadcast %mul3A_39 : i32 to vector<16xi32>
    %add3A_96 = arith.addi %get3A_94, %add3A_95 : vector<16xi32>
    %swap3A_97 = arith.constant 96 : index
    %swap3A_98 = tpu.vector_load %arg5[%swap3A_97] {strides = array<i32>} : memref<256xi32, #tpu.memory_space<vmem>>, vector<16xi32>,
    %swap3A_99 = vector.shape_cast %swap3A_98 : vector<16xi32> to vector<16xi32>
    %swap3A_100 = vector.shape_cast %add3A_96 : vector<16xi32> to vector<16xi32>
    tpu.vector_store %arg5[%swap3A_97], %swap3A_100 {strides = array<i32>} : memref<256xi32, #tpu.memory_space<vmem>>, vector<16xi32>,
    %get3A_101 = arith.constant 112 : index
    %get3A_102 = tpu.vector_load %arg5[%get3A_101] {strides = array<i32>} : memref<256xi32, #tpu.memory_space<vmem>>, vector<16xi32>,
    %get3A_103 = vector.shape_cast %get3A_102 : vector<16xi32> to vector<16xi32>
    %add3A_104 = vector.broadcast %mul3A_39 : i32 to vector<16xi32>
    %add3A_105 = arith.addi %get3A_103, %add3A_104 : vector<16xi32>
    %swap3A_106 = arith.constant 112 : index
    %swap3A_107 = tpu.vector_load %arg5[%swap3A_106] {strides = array<i32>} : memref<256xi32, #tpu.memory_space<vmem>>, vector<16xi32>,
    %swap3A_108 = vector.shape_cast %swap3A_107 : vector<16xi32> to vector<16xi32>
    %swap3A_109 = vector.shape_cast %add3A_105 : vector<16xi32> to vector<16xi32>
    tpu.vector_store %arg5[%swap3A_106], %swap3A_109 {strides = array<i32>} : memref<256xi32, #tpu.memory_space<vmem>>, vector<16xi32>,
    %get3A_110 = arith.constant 128 : index
    %get3A_111 = tpu.vector_load %arg5[%get3A_110] {strides = array<i32>} : memref<256xi32, #tpu.memory_space<vmem>>, vector<16xi32>,
    %get3A_112 = vector.shape_cast %get3A_111 : vector<16xi32> to vector<16xi32>
    %add3A_113 = vector.broadcast %mul3A_39 : i32 to vector<16xi32>
    %add3A_114 = arith.addi %get3A_112, %add3A_113 : vector<16xi32>
    %swap3A_115 = arith.constant 128 : index
    %swap3A_116 = tpu.vector_load %arg5[%swap3A_115] {strides = array<i32>} : memref<256xi32, #tpu.memory_space<vmem>>, vector<16xi32>,
    %swap3A_117 = vector.shape_cast %swap3A_116 : vector<16xi32> to vector<16xi32>
    %swap3A_118 = vector.shape_cast %add3A_114 : vector<16xi32> to vector<16xi32>
    tpu.vector_store %arg5[%swap3A_115], %swap3A_118 {strides = array<i32>} : memref<256xi32, #tpu.memory_space<vmem>>, vector<16xi32>,
    %get3A_119 = arith.constant 144 : index
    %get3A_120 = tpu.vector_load %arg5[%get3A_119] {strides = array<i32>} : memref<256xi32, #tpu.memory_space<vmem>>, vector<16xi32>,
    %get3A_121 = vector.shape_cast %get3A_120 : vector<16xi32> to vector<16xi32>
    %add3A_122 = vector.broadcast %mul3A_39 : i32 to vector<16xi32>
    %add3A_123 = arith.addi %get3A_121, %add3A_122 : vector<16xi32>
    %swap3A_124 = arith.constant 144 : index
    %swap3A_125 = tpu.vector_load %arg5[%swap3A_124] {strides = array<i32>} : memref<256xi32, #tpu.memory_space<vmem>>, vector<16xi32>,
    %swap3A_126 = vector.shape_cast %swap3A_125 : vector<16xi32> to vector<16xi32>
    %swap3A_127 = vector.shape_cast %add3A_123 : vector<16xi32> to vector<16xi32>
    tpu.vector_store %arg5[%swap3A_124], %swap3A_127 {strides = array<i32>} : memref<256xi32, #tpu.memory_space<vmem>>, vector<16xi32>,
    %get3A_128 = arith.constant 160 : index
    %get3A_129 = tpu.vector_load %arg5[%get3A_128] {strides = array<i32>} : memref<256xi32, #tpu.memory_space<vmem>>, vector<16xi32>,
    %get3A_130 = vector.shape_cast %get3A_129 : vector<16xi32> to vector<16xi32>
    %add3A_131 = vector.broadcast %mul3A_39 : i32 to vector<16xi32>
    %add3A_132 = arith.addi %get3A_130, %add3A_131 : vector<16xi32>
    %swap3A_133 = arith.constant 160 : index
    %swap3A_134 = tpu.vector_load %arg5[%swap3A_133] {strides = array<i32>} : memref<256xi32, #tpu.memory_space<vmem>>, vector<16xi32>,
    %swap3A_135 = vector.shape_cast %swap3A_134 : vector<16xi32> to vector<16xi32>
    %swap3A_136 = vector.shape_cast %add3A_132 : vector<16xi32> to vector<16xi32>
    tpu.vector_store %arg5[%swap3A_133], %swap3A_136 {strides = array<i32>} : memref<256xi32, #tpu.memory_space<vmem>>, vector<16xi32>,
    %get3A_137 = arith.constant 176 : index
    %get3A_138 = tpu.vector_load %arg5[%get3A_137] {strides = array<i32>} : memref<256xi32, #tpu.memory_space<vmem>>, vector<16xi32>,
    %get3A_139 = vector.shape_cast %get3A_138 : vector<16xi32> to vector<16xi32>
    %add3A_140 = vector.broadcast %mul3A_39 : i32 to vector<16xi32>
    %add3A_141 = arith.addi %get3A_139, %add3A_140 : vector<16xi32>
    %swap3A_142 = arith.constant 176 : index
    %swap3A_143 = tpu.vector_load %arg5[%swap3A_142] {strides = array<i32>} : memref<256xi32, #tpu.memory_space<vmem>>, vector<16xi32>,
    %swap3A_144 = vector.shape_cast %swap3A_143 : vector<16xi32> to vector<16xi32>
    %swap3A_145 = vector.shape_cast %add3A_141 : vector<16xi32> to vector<16xi32>
    tpu.vector_store %arg5[%swap3A_142], %swap3A_145 {strides = array<i32>} : memref<256xi32, #tpu.memory_space<vmem>>, vector<16xi32>,
    %get3A_146 = arith.constant 192 : index
    %get3A_147 = tpu.vector_load %arg5[%get3A_146] {strides = array<i32>} : memref<256xi32, #tpu.memory_space<vmem>>, vector<16xi32>,
    %get3A_148 = vector.shape_cast %get3A_147 : vector<16xi32> to vector<16xi32>
    %add3A_149 = vector.broadcast %mul3A_39 : i32 to vector<16xi32>
    %add3A_150 = arith.addi %get3A_148, %add3A_149 : vector<16xi32>
    %swap3A_151 = arith.constant 192 : index
    %swap3A_152 = tpu.vector_load %arg5[%swap3A_151] {strides = array<i32>} : memref<256xi32, #tpu.memory_space<vmem>>, vector<16xi32>,
    %swap3A_153 = vector.shape_cast %swap3A_152 : vector<16xi32> to vector<16xi32>
    %swap3A_154 = vector.shape_cast %add3A_150 : vector<16xi32> to vector<16xi32>
    tpu.vector_store %arg5[%swap3A_151], %swap3A_154 {strides = array<i32>} : memref<256xi32, #tpu.memory_space<vmem>>, vector<16xi32>,
    %get3A_155 = arith.constant 208 : index
    %get3A_156 = tpu.vector_load %arg5[%get3A_155] {strides = array<i32>} : memref<256xi32, #tpu.memory_space<vmem>>, vector<16xi32>,
    %get3A_157 = vector.shape_cast %get3A_156 : vector<16xi32> to vector<16xi32>
    %add3A_158 = vector.broadcast %mul3A_39 : i32 to vector<16xi32>
    %add3A_159 = arith.addi %get3A_157, %add3A_158 : vector<16xi32>
    %swap3A_160 = arith.constant 208 : index
    %swap3A_161 = tpu.vector_load %arg5[%swap3A_160] {strides = array<i32>} : memref<256xi32, #tpu.memory_space<vmem>>, vector<16xi32>,
    %swap3A_162 = vector.shape_cast %swap3A_161 : vector<16xi32> to vector<16xi32>
    %swap3A_163 = vector.shape_cast %add3A_159 : vector<16xi32> to vector<16xi32>
    tpu.vector_store %arg5[%swap3A_160], %swap3A_163 {strides = array<i32>} : memref<256xi32, #tpu.memory_space<vmem>>, vector<16xi32>,
    %get3A_164 = arith.constant 224 : index
    %get3A_165 = tpu.vector_load %arg5[%get3A_164] {strides = array<i32>} : memref<256xi32, #tpu.memory_space<vmem>>, vector<16xi32>,
    %get3A_166 = vector.shape_cast %get3A_165 : vector<16xi32> to vector<16xi32>
    %add3A_167 = vector.broadcast %mul3A_39 : i32 to vector<16xi32>
    %add3A_168 = arith.addi %get3A_166, %add3A_167 : vector<16xi32>
    %swap3A_169 = arith.constant 224 : index
    %swap3A_170 = tpu.vector_load %arg5[%swap3A_169] {strides = array<i32>} : memref<256xi32, #tpu.memory_space<vmem>>, vector<16xi32>,
    %swap3A_171 = vector.shape_cast %swap3A_170 : vector<16xi32> to vector<16xi32>
    %swap3A_172 = vector.shape_cast %add3A_168 : vector<16xi32> to vector<16xi32>
    tpu.vector_store %arg5[%swap3A_169], %swap3A_172 {strides = array<i32>} : memref<256xi32, #tpu.memory_space<vmem>>, vector<16xi32>,
    %get3A_173 = arith.constant 240 : index
    %get3A_174 = tpu.vector_load %arg5[%get3A_173] {strides = array<i32>} : memref<256xi32, #tpu.memory_space<vmem>>, vector<16xi32>,
    %get3A_175 = vector.shape_cast %get3A_174 : vector<16xi32> to vector<16xi32>
    %add3A_176 = vector.broadcast %mul3A_39 : i32 to vector<16xi32>
    %add3A_177 = arith.addi %get3A_175, %add3A_176 : vector<16xi32>
    %swap3A_178 = arith.constant 240 : index
    %swap3A_179 = tpu.vector_load %arg5[%swap3A_178] {strides = array<i32>} : memref<256xi32, #tpu.memory_space<vmem>>, vector<16xi32>,
    %swap3A_180 = vector.shape_cast %swap3A_179 : vector<16xi32> to vector<16xi32>
    %swap3A_181 = vector.shape_cast %add3A_177 : vector<16xi32> to vector<16xi32>
    tpu.vector_store %arg5[%swap3A_178], %swap3A_181 {strides = array<i32>} : memref<256xi32, #tpu.memory_space<vmem>>, vector<16xi32>,
    %scan3A = arith.constant 0 : i32
    %scan3A_182 = arith.constant 10 : i32
    %scan3A_183 = arith.addi %scan3A, %scan3A_182 : i32
    %scan3A_184 = arith.constant 1 : i32
    scf.for %scan3A_384 = %scan3A to %scan3A_183 step %scan3A_184  : i32 {
      %mul3A_385 = arith.constant 3 : i32
      %mul3A_386 = arith.muli %scan3A_384, %mul3A_385 : i32
      %add3A_387 = arith.constant 0 : i32
      %add3A_388 = arith.addi %add3A_387, %mul3A_386 : i32
      %add3A_389 = arith.constant 0 : i32
      %add3A_390 = arith.addi %add3A_388, %add3A_389 : i32
      %gt3A = arith.constant 0 : i32
      %gt3A_391 = arith.cmpi sgt, %add3A_388, %gt3A : i32
      %convert_element_type3A = arith.extui %gt3A_391 : i1 to i32
      %cond3A = arith.constant 0 : i32
      %cond3A_392 = arith.cmpi ne, %convert_element_type3A, %cond3A : i32
      scf.if %cond3A_392 {
        %sub3A_487 = arith.constant 3 : i32
        %sub3A_488 = arith.subi %add3A_390, %sub3A_487 : i32
        %mul3A_489 = arith.constant 8 : i32
        %mul3A_490 = arith.muli %sub3A_488, %mul3A_489 : i32
        %add3A_491 = arith.addi %add3A_35, %mul3A_490 : i32
        %dma_wait3A_492 = arith.constant 0 : i32
        %dma_wait3A_493 = arith.constant 0 : i32
        %dma_wait3A_494 = arith.constant 0 : i32
        %dma_wait3A_495 = tpu.memref_slice %arg6[%dma_wait3A_492, %dma_wait3A_493, %dma_wait3A_494] : memref<3x8x4096xf32, #tpu.memory_space<vmem>> -> memref<1x8x4096xf32, #tpu.memory_space<vmem>>
        %dma_wait3A_496 = tpu.memref_squeeze %dma_wait3A_495 : memref<1x8x4096xf32, #tpu.memory_space<vmem>> -> memref<8x4096xf32, #tpu.memory_space<vmem>>
        %dma_wait3A_497 = arith.constant 0 : i32
        %dma_wait3A_498 = tpu.memref_slice %arg4[%add3A_491, %dma_wait3A_497] : memref<8192x4096xf32, #tpu.memory_space<hbm>> -> memref<8x4096xf32, #tpu.memory_space<hbm>>
        %dma_wait3A_499 = arith.constant 0 : i32
        %dma_wait3A_500 = tpu.memref_slice %arg4[%add3A_491, %dma_wait3A_499] : memref<8192x4096xf32, #tpu.memory_space<hbm>> -> memref<8x4096xf32, #tpu.memory_space<hbm>>
        %dma_wait3A_501 = arith.constant 0 : i32
        %dma_wait3A_502 = arith.constant 0 : i32
        %dma_wait3A_503 = tpu.memref_slice %arg6[%dma_wait3A_492, %dma_wait3A_501, %dma_wait3A_502] : memref<3x8x4096xf32, #tpu.memory_space<vmem>> -> memref<1x8x4096xf32, #tpu.memory_space<vmem>>
        %dma_wait3A_504 = tpu.memref_squeeze %dma_wait3A_503 : memref<1x8x4096xf32, #tpu.memory_space<vmem>> -> memref<8x4096xf32, #tpu.memory_space<vmem>>
        tpu.wait_dma2 semaphore(%arg10 : memref<!tpu.dma_semaphore, #tpu.memory_space<semaphore_mem>>) src(%dma_wait3A_504 : memref<8x4096xf32, #tpu.memory_space<vmem>>) dst(%dma_wait3A_500 : memref<8x4096xf32, #tpu.memory_space<hbm>>)
      } else {
      }
      %mul3A_393 = arith.constant 8 : i32
      %mul3A_394 = arith.muli %add3A_390, %mul3A_393 : i32
      %multiple_of3A_395 = tpu.assume_multiple %mul3A_394, 8 : i32
      %dma_start3A_396 = arith.constant 0 : i32
      %dma_start3A_397 = arith.constant 0 : i32
      %dma_start3A_398 = arith.constant 0 : i32
      %dma_start3A_399 = tpu.memref_slice %arg6[%dma_start3A_396, %dma_start3A_397, %dma_start3A_398] : memref<3x8x4096xf32, #tpu.memory_space<vmem>> -> memref<1x8x4096xf32, #tpu.memory_space<vmem>>
      %dma_start3A_400 = tpu.memref_squeeze %dma_start3A_399 : memref<1x8x4096xf32, #tpu.memory_space<vmem>> -> memref<8x4096xf32, #tpu.memory_space<vmem>>
      %dma_start3A_401 = tpu.memref_slice %arg5[%multiple_of3A_395] : memref<256xi32, #tpu.memory_space<vmem>> -> memref<8xi32, #tpu.memory_space<vmem>>
      %dma_start3A_402 = arith.constant 0 : i32
      %dma_start3A_403 = arith.constant 0 : i32
      %dma_start3A_404 = tpu.memref_slice %arg2[%dma_start3A_402, %dma_start3A_403] : memref<8192x4096xf32, #tpu.memory_space<hbm>> -> memref<8192x4096xf32, #tpu.memory_space<hbm>>
      tpu.enqueue_indirect_dma source(%dma_start3A_404 : memref<8192x4096xf32, #tpu.memory_space<hbm>>) target(%dma_start3A_400 : memref<8x4096xf32, #tpu.memory_space<vmem>>) offsets(%dma_start3A_401 : memref<8xi32, #tpu.memory_space<vmem>>) semaphore(%arg7 : memref<!tpu.dma_semaphore, #tpu.memory_space<semaphore_mem>>)
      %sub3A_405 = arith.constant 2 : i32
      %sub3A_406 = arith.subi %add3A_390, %sub3A_405 : i32
      %gt3A_407 = arith.constant 0 : i32
      %gt3A_408 = arith.cmpi sgt, %add3A_388, %gt3A_407 : i32
      %convert_element_type3A_409 = arith.extui %gt3A_408 : i1 to i32
      %cond3A_410 = arith.constant 0 : i32
      %cond3A_411 = arith.cmpi ne, %convert_element_type3A_409, %cond3A_410 : i32
      scf.if %cond3A_411 {
        %mul3A_487 = arith.constant 8 : i32
        %mul3A_488 = arith.muli %sub3A_406, %mul3A_487 : i32
        %multiple_of3A_489 = tpu.assume_multiple %mul3A_488, 8 : i32
        %dma_wait3A_490 = arith.constant 1 : i32
        %dma_wait3A_491 = arith.constant 0 : i32
        %dma_wait3A_492 = arith.constant 0 : i32
        %dma_wait3A_493 = tpu.memref_slice %arg6[%dma_wait3A_490, %dma_wait3A_491, %dma_wait3A_492] : memref<3x8x4096xf32, #tpu.memory_space<vmem>> -> memref<1x8x4096xf32, #tpu.memory_space<vmem>>
        %dma_wait3A_494 = tpu.memref_squeeze %dma_wait3A_493 : memref<1x8x4096xf32, #tpu.memory_space<vmem>> -> memref<8x4096xf32, #tpu.memory_space<vmem>>
        %dma_wait3A_495 = tpu.memref_slice %arg5[%multiple_of3A_489] : memref<256xi32, #tpu.memory_space<vmem>> -> memref<8xi32, #tpu.memory_space<vmem>>
        %dma_wait3A_496 = arith.constant 0 : i32
        %dma_wait3A_497 = arith.constant 0 : i32
        %dma_wait3A_498 = tpu.memref_slice %arg2[%dma_wait3A_496, %dma_wait3A_497] : memref<8192x4096xf32, #tpu.memory_space<hbm>> -> memref<8192x4096xf32, #tpu.memory_space<hbm>>
        tpu.wait_indirect_dma semaphore(%arg8 : memref<!tpu.dma_semaphore, #tpu.memory_space<semaphore_mem>>) src(%dma_wait3A_498 : memref<8192x4096xf32, #tpu.memory_space<hbm>>) dst(%dma_wait3A_494 : memref<8x4096xf32, #tpu.memory_space<vmem>>)
        %mul3A_499 = arith.constant 8 : i32
        %mul3A_500 = arith.muli %sub3A_406, %mul3A_499 : i32
        %add3A_501 = arith.addi %add3A_35, %mul3A_500 : i32
        %dma_start3A_502 = arith.constant 1 : i32
        %dma_start3A_503 = arith.constant 0 : i32
        %dma_start3A_504 = arith.constant 0 : i32
        %dma_start3A_505 = tpu.memref_slice %arg6[%dma_start3A_502, %dma_start3A_503, %dma_start3A_504] : memref<3x8x4096xf32, #tpu.memory_space<vmem>> -> memref<1x8x4096xf32, #tpu.memory_space<vmem>>
        %dma_start3A_506 = tpu.memref_squeeze %dma_start3A_505 : memref<1x8x4096xf32, #tpu.memory_space<vmem>> -> memref<8x4096xf32, #tpu.memory_space<vmem>>
        %dma_start3A_507 = arith.constant 0 : i32
        %dma_start3A_508 = tpu.memref_slice %arg4[%add3A_501, %dma_start3A_507] : memref<8192x4096xf32, #tpu.memory_space<hbm>> -> memref<8x4096xf32, #tpu.memory_space<hbm>>
        %dma_start3A_509 = arith.constant 0 : i32
        %dma_start3A_510 = tpu.memref_slice %arg4[%add3A_501, %dma_start3A_509] : memref<8192x4096xf32, #tpu.memory_space<hbm>> -> memref<8x4096xf32, #tpu.memory_space<hbm>>
        %dma_start3A_511 = arith.constant 0 : i32
        %dma_start3A_512 = arith.constant 0 : i32
        %dma_start3A_513 = tpu.memref_slice %arg6[%dma_start3A_502, %dma_start3A_511, %dma_start3A_512] : memref<3x8x4096xf32, #tpu.memory_space<vmem>> -> memref<1x8x4096xf32, #tpu.memory_space<vmem>>
        %dma_start3A_514 = tpu.memref_squeeze %dma_start3A_513 : memref<1x8x4096xf32, #tpu.memory_space<vmem>> -> memref<8x4096xf32, #tpu.memory_space<vmem>>
        tpu.enqueue_dma source(%dma_start3A_514 : memref<8x4096xf32, #tpu.memory_space<vmem>>) target(%dma_start3A_510 : memref<8x4096xf32, #tpu.memory_space<hbm>>) target_semaphore(%arg11 : memref<!tpu.dma_semaphore, #tpu.memory_space<semaphore_mem>>)
      } else {
      }
      %add3A_412 = arith.constant 1 : i32
      %add3A_413 = arith.addi %add3A_388, %add3A_412 : i32
      %gt3A_414 = arith.constant 0 : i32
      %gt3A_415 = arith.cmpi sgt, %add3A_388, %gt3A_414 : i32
      %convert_element_type3A_416 = arith.extui %gt3A_415 : i1 to i32
      %cond3A_417 = arith.constant 0 : i32
      %cond3A_418 = arith.cmpi ne, %convert_element_type3A_416, %cond3A_417 : i32
      scf.if %cond3A_418 {
        %sub3A_487 = arith.constant 3 : i32
        %sub3A_488 = arith.subi %add3A_413, %sub3A_487 : i32
        %mul3A_489 = arith.constant 8 : i32
        %mul3A_490 = arith.muli %sub3A_488, %mul3A_489 : i32
        %add3A_491 = arith.addi %add3A_35, %mul3A_490 : i32
        %dma_wait3A_492 = arith.constant 1 : i32
        %dma_wait3A_493 = arith.constant 0 : i32
        %dma_wait3A_494 = arith.constant 0 : i32
        %dma_wait3A_495 = tpu.memref_slice %arg6[%dma_wait3A_492, %dma_wait3A_493, %dma_wait3A_494] : memref<3x8x4096xf32, #tpu.memory_space<vmem>> -> memref<1x8x4096xf32, #tpu.memory_space<vmem>>
        %dma_wait3A_496 = tpu.memref_squeeze %dma_wait3A_495 : memref<1x8x4096xf32, #tpu.memory_space<vmem>> -> memref<8x4096xf32, #tpu.memory_space<vmem>>
        %dma_wait3A_497 = arith.constant 0 : i32
        %dma_wait3A_498 = tpu.memref_slice %arg4[%add3A_491, %dma_wait3A_497] : memref<8192x4096xf32, #tpu.memory_space<hbm>> -> memref<8x4096xf32, #tpu.memory_space<hbm>>
        %dma_wait3A_499 = arith.constant 0 : i32
        %dma_wait3A_500 = tpu.memref_slice %arg4[%add3A_491, %dma_wait3A_499] : memref<8192x4096xf32, #tpu.memory_space<hbm>> -> memref<8x4096xf32, #tpu.memory_space<hbm>>
        %dma_wait3A_501 = arith.constant 0 : i32
        %dma_wait3A_502 = arith.constant 0 : i32
        %dma_wait3A_503 = tpu.memref_slice %arg6[%dma_wait3A_492, %dma_wait3A_501, %dma_wait3A_502] : memref<3x8x4096xf32, #tpu.memory_space<vmem>> -> memref<1x8x4096xf32, #tpu.memory_space<vmem>>
        %dma_wait3A_504 = tpu.memref_squeeze %dma_wait3A_503 : memref<1x8x4096xf32, #tpu.memory_space<vmem>> -> memref<8x4096xf32, #tpu.memory_space<vmem>>
        tpu.wait_dma2 semaphore(%arg11 : memref<!tpu.dma_semaphore, #tpu.memory_space<semaphore_mem>>) src(%dma_wait3A_504 : memref<8x4096xf32, #tpu.memory_space<vmem>>) dst(%dma_wait3A_500 : memref<8x4096xf32, #tpu.memory_space<hbm>>)
      } else {
      }
      %mul3A_419 = arith.constant 8 : i32
      %mul3A_420 = arith.muli %add3A_413, %mul3A_419 : i32
      %multiple_of3A_421 = tpu.assume_multiple %mul3A_420, 8 : i32
      %dma_start3A_422 = arith.constant 1 : i32
      %dma_start3A_423 = arith.constant 0 : i32
      %dma_start3A_424 = arith.constant 0 : i32
      %dma_start3A_425 = tpu.memref_slice %arg6[%dma_start3A_422, %dma_start3A_423, %dma_start3A_424] : memref<3x8x4096xf32, #tpu.memory_space<vmem>> -> memref<1x8x4096xf32, #tpu.memory_space<vmem>>
      %dma_start3A_426 = tpu.memref_squeeze %dma_start3A_425 : memref<1x8x4096xf32, #tpu.memory_space<vmem>> -> memref<8x4096xf32, #tpu.memory_space<vmem>>
      %dma_start3A_427 = tpu.memref_slice %arg5[%multiple_of3A_421] : memref<256xi32, #tpu.memory_space<vmem>> -> memref<8xi32, #tpu.memory_space<vmem>>
      %dma_start3A_428 = arith.constant 0 : i32
      %dma_start3A_429 = arith.constant 0 : i32
      %dma_start3A_430 = tpu.memref_slice %arg2[%dma_start3A_428, %dma_start3A_429] : memref<8192x4096xf32, #tpu.memory_space<hbm>> -> memref<8192x4096xf32, #tpu.memory_space<hbm>>
      tpu.enqueue_indirect_dma source(%dma_start3A_430 : memref<8192x4096xf32, #tpu.memory_space<hbm>>) target(%dma_start3A_426 : memref<8x4096xf32, #tpu.memory_space<vmem>>) offsets(%dma_start3A_427 : memref<8xi32, #tpu.memory_space<vmem>>) semaphore(%arg8 : memref<!tpu.dma_semaphore, #tpu.memory_space<semaphore_mem>>)
      %sub3A_431 = arith.constant 2 : i32
      %sub3A_432 = arith.subi %add3A_413, %sub3A_431 : i32
      %gt3A_433 = arith.constant 0 : i32
      %gt3A_434 = arith.cmpi sgt, %add3A_388, %gt3A_433 : i32
      %convert_element_type3A_435 = arith.extui %gt3A_434 : i1 to i32
      %cond3A_436 = arith.constant 0 : i32
      %cond3A_437 = arith.cmpi ne, %convert_element_type3A_435, %cond3A_436 : i32
      scf.if %cond3A_437 {
        %mul3A_487 = arith.constant 8 : i32
        %mul3A_488 = arith.muli %sub3A_432, %mul3A_487 : i32
        %multiple_of3A_489 = tpu.assume_multiple %mul3A_488, 8 : i32
        %dma_wait3A_490 = arith.constant 2 : i32
        %dma_wait3A_491 = arith.constant 0 : i32
        %dma_wait3A_492 = arith.constant 0 : i32
        %dma_wait3A_493 = tpu.memref_slice %arg6[%dma_wait3A_490, %dma_wait3A_491, %dma_wait3A_492] : memref<3x8x4096xf32, #tpu.memory_space<vmem>> -> memref<1x8x4096xf32, #tpu.memory_space<vmem>>
        %dma_wait3A_494 = tpu.memref_squeeze %dma_wait3A_493 : memref<1x8x4096xf32, #tpu.memory_space<vmem>> -> memref<8x4096xf32, #tpu.memory_space<vmem>>
        %dma_wait3A_495 = tpu.memref_slice %arg5[%multiple_of3A_489] : memref<256xi32, #tpu.memory_space<vmem>> -> memref<8xi32, #tpu.memory_space<vmem>>
        %dma_wait3A_496 = arith.constant 0 : i32
        %dma_wait3A_497 = arith.constant 0 : i32
        %dma_wait3A_498 = tpu.memref_slice %arg2[%dma_wait3A_496, %dma_wait3A_497] : memref<8192x4096xf32, #tpu.memory_space<hbm>> -> memref<8192x4096xf32, #tpu.memory_space<hbm>>
        tpu.wait_indirect_dma semaphore(%arg9 : memref<!tpu.dma_semaphore, #tpu.memory_space<semaphore_mem>>) src(%dma_wait3A_498 : memref<8192x4096xf32, #tpu.memory_space<hbm>>) dst(%dma_wait3A_494 : memref<8x4096xf32, #tpu.memory_space<vmem>>)
        %mul3A_499 = arith.constant 8 : i32
        %mul3A_500 = arith.muli %sub3A_432, %mul3A_499 : i32
        %add3A_501 = arith.addi %add3A_35, %mul3A_500 : i32
        %dma_start3A_502 = arith.constant 2 : i32
        %dma_start3A_503 = arith.constant 0 : i32
        %dma_start3A_504 = arith.constant 0 : i32
        %dma_start3A_505 = tpu.memref_slice %arg6[%dma_start3A_502, %dma_start3A_503, %dma_start3A_504] : memref<3x8x4096xf32, #tpu.memory_space<vmem>> -> memref<1x8x4096xf32, #tpu.memory_space<vmem>>
        %dma_start3A_506 = tpu.memref_squeeze %dma_start3A_505 : memref<1x8x4096xf32, #tpu.memory_space<vmem>> -> memref<8x4096xf32, #tpu.memory_space<vmem>>
        %dma_start3A_507 = arith.constant 0 : i32
        %dma_start3A_508 = tpu.memref_slice %arg4[%add3A_501, %dma_start3A_507] : memref<8192x4096xf32, #tpu.memory_space<hbm>> -> memref<8x4096xf32, #tpu.memory_space<hbm>>
        %dma_start3A_509 = arith.constant 0 : i32
        %dma_start3A_510 = tpu.memref_slice %arg4[%add3A_501, %dma_start3A_509] : memref<8192x4096xf32, #tpu.memory_space<hbm>> -> memref<8x4096xf32, #tpu.memory_space<hbm>>
        %dma_start3A_511 = arith.constant 0 : i32
        %dma_start3A_512 = arith.constant 0 : i32
        %dma_start3A_513 = tpu.memref_slice %arg6[%dma_start3A_502, %dma_start3A_511, %dma_start3A_512] : memref<3x8x4096xf32, #tpu.memory_space<vmem>> -> memref<1x8x4096xf32, #tpu.memory_space<vmem>>
        %dma_start3A_514 = tpu.memref_squeeze %dma_start3A_513 : memref<1x8x4096xf32, #tpu.memory_space<vmem>> -> memref<8x4096xf32, #tpu.memory_space<vmem>>
        tpu.enqueue_dma source(%dma_start3A_514 : memref<8x4096xf32, #tpu.memory_space<vmem>>) target(%dma_start3A_510 : memref<8x4096xf32, #tpu.memory_space<hbm>>) target_semaphore(%arg12 : memref<!tpu.dma_semaphore, #tpu.memory_space<semaphore_mem>>)
      } else {
      }
      %add3A_438 = arith.constant 2 : i32
      %add3A_439 = arith.addi %add3A_388, %add3A_438 : i32
      %gt3A_440 = arith.constant 0 : i32
      %gt3A_441 = arith.cmpi sgt, %add3A_388, %gt3A_440 : i32
      %convert_element_type3A_442 = arith.extui %gt3A_441 : i1 to i32
      %cond3A_443 = arith.constant 0 : i32
      %cond3A_444 = arith.cmpi ne, %convert_element_type3A_442, %cond3A_443 : i32
      scf.if %cond3A_444 {
        %sub3A_487 = arith.constant 3 : i32
        %sub3A_488 = arith.subi %add3A_439, %sub3A_487 : i32
        %mul3A_489 = arith.constant 8 : i32
        %mul3A_490 = arith.muli %sub3A_488, %mul3A_489 : i32
        %add3A_491 = arith.addi %add3A_35, %mul3A_490 : i32
        %dma_wait3A_492 = arith.constant 2 : i32
        %dma_wait3A_493 = arith.constant 0 : i32
        %dma_wait3A_494 = arith.constant 0 : i32
        %dma_wait3A_495 = tpu.memref_slice %arg6[%dma_wait3A_492, %dma_wait3A_493, %dma_wait3A_494] : memref<3x8x4096xf32, #tpu.memory_space<vmem>> -> memref<1x8x4096xf32, #tpu.memory_space<vmem>>
        %dma_wait3A_496 = tpu.memref_squeeze %dma_wait3A_495 : memref<1x8x4096xf32, #tpu.memory_space<vmem>> -> memref<8x4096xf32, #tpu.memory_space<vmem>>
        %dma_wait3A_497 = arith.constant 0 : i32
        %dma_wait3A_498 = tpu.memref_slice %arg4[%add3A_491, %dma_wait3A_497] : memref<8192x4096xf32, #tpu.memory_space<hbm>> -> memref<8x4096xf32, #tpu.memory_space<hbm>>
        %dma_wait3A_499 = arith.constant 0 : i32
        %dma_wait3A_500 = tpu.memref_slice %arg4[%add3A_491, %dma_wait3A_499] : memref<8192x4096xf32, #tpu.memory_space<hbm>> -> memref<8x4096xf32, #tpu.memory_space<hbm>>
        %dma_wait3A_501 = arith.constant 0 : i32
        %dma_wait3A_502 = arith.constant 0 : i32
        %dma_wait3A_503 = tpu.memref_slice %arg6[%dma_wait3A_492, %dma_wait3A_501, %dma_wait3A_502] : memref<3x8x4096xf32, #tpu.memory_space<vmem>> -> memref<1x8x4096xf32, #tpu.memory_space<vmem>>
        %dma_wait3A_504 = tpu.memref_squeeze %dma_wait3A_503 : memref<1x8x4096xf32, #tpu.memory_space<vmem>> -> memref<8x4096xf32, #tpu.memory_space<vmem>>
        tpu.wait_dma2 semaphore(%arg12 : memref<!tpu.dma_semaphore, #tpu.memory_space<semaphore_mem>>) src(%dma_wait3A_504 : memref<8x4096xf32, #tpu.memory_space<vmem>>) dst(%dma_wait3A_500 : memref<8x4096xf32, #tpu.memory_space<hbm>>)
      } else {
      }
      %mul3A_445 = arith.constant 8 : i32
      %mul3A_446 = arith.muli %add3A_439, %mul3A_445 : i32
      %multiple_of3A_447 = tpu.assume_multiple %mul3A_446, 8 : i32
      %dma_start3A_448 = arith.constant 2 : i32
      %dma_start3A_449 = arith.constant 0 : i32
      %dma_start3A_450 = arith.constant 0 : i32
      %dma_start3A_451 = tpu.memref_slice %arg6[%dma_start3A_448, %dma_start3A_449, %dma_start3A_450] : memref<3x8x4096xf32, #tpu.memory_space<vmem>> -> memref<1x8x4096xf32, #tpu.memory_space<vmem>>
      %dma_start3A_452 = tpu.memref_squeeze %dma_start3A_451 : memref<1x8x4096xf32, #tpu.memory_space<vmem>> -> memref<8x4096xf32, #tpu.memory_space<vmem>>
      %dma_start3A_453 = tpu.memref_slice %arg5[%multiple_of3A_447] : memref<256xi32, #tpu.memory_space<vmem>> -> memref<8xi32, #tpu.memory_space<vmem>>
      %dma_start3A_454 = arith.constant 0 : i32
      %dma_start3A_455 = arith.constant 0 : i32
      %dma_start3A_456 = tpu.memref_slice %arg2[%dma_start3A_454, %dma_start3A_455] : memref<8192x4096xf32, #tpu.memory_space<hbm>> -> memref<8192x4096xf32, #tpu.memory_space<hbm>>
      tpu.enqueue_indirect_dma source(%dma_start3A_456 : memref<8192x4096xf32, #tpu.memory_space<hbm>>) target(%dma_start3A_452 : memref<8x4096xf32, #tpu.memory_space<vmem>>) offsets(%dma_start3A_453 : memref<8xi32, #tpu.memory_space<vmem>>) semaphore(%arg9 : memref<!tpu.dma_semaphore, #tpu.memory_space<semaphore_mem>>)
      %sub3A_457 = arith.constant 2 : i32
      %sub3A_458 = arith.subi %add3A_439, %sub3A_457 : i32
      %mul3A_459 = arith.constant 8 : i32
      %mul3A_460 = arith.muli %sub3A_458, %mul3A_459 : i32
      %multiple_of3A_461 = tpu.assume_multiple %mul3A_460, 8 : i32
      %dma_wait3A_462 = arith.constant 0 : i32
      %dma_wait3A_463 = arith.constant 0 : i32
      %dma_wait3A_464 = arith.constant 0 : i32
      %dma_wait3A_465 = tpu.memref_slice %arg6[%dma_wait3A_462, %dma_wait3A_463, %dma_wait3A_464] : memref<3x8x4096xf32, #tpu.memory_space<vmem>> -> memref<1x8x4096xf32, #tpu.memory_space<vmem>>
      %dma_wait3A_466 = tpu.memref_squeeze %dma_wait3A_465 : memref<1x8x4096xf32, #tpu.memory_space<vmem>> -> memref<8x4096xf32, #tpu.memory_space<vmem>>
      %dma_wait3A_467 = tpu.memref_slice %arg5[%multiple_of3A_461] : memref<256xi32, #tpu.memory_space<vmem>> -> memref<8xi32, #tpu.memory_space<vmem>>
      %dma_wait3A_468 = arith.constant 0 : i32
      %dma_wait3A_469 = arith.constant 0 : i32
      %dma_wait3A_470 = tpu.memref_slice %arg2[%dma_wait3A_468, %dma_wait3A_469] : memref<8192x4096xf32, #tpu.memory_space<hbm>> -> memref<8192x4096xf32, #tpu.memory_space<hbm>>
      tpu.wait_indirect_dma semaphore(%arg7 : memref<!tpu.dma_semaphore, #tpu.memory_space<semaphore_mem>>) src(%dma_wait3A_470 : memref<8192x4096xf32, #tpu.memory_space<hbm>>) dst(%dma_wait3A_466 : memref<8x4096xf32, #tpu.memory_space<vmem>>)
      %mul3A_471 = arith.constant 8 : i32
      %mul3A_472 = arith.muli %sub3A_458, %mul3A_471 : i32
      %add3A_473 = arith.addi %add3A_35, %mul3A_472 : i32
      %dma_start3A_474 = arith.constant 0 : i32
      %dma_start3A_475 = arith.constant 0 : i32
      %dma_start3A_476 = arith.constant 0 : i32
      %dma_start3A_477 = tpu.memref_slice %arg6[%dma_start3A_474, %dma_start3A_475, %dma_start3A_476] : memref<3x8x4096xf32, #tpu.memory_space<vmem>> -> memref<1x8x4096xf32, #tpu.memory_space<vmem>>
      %dma_start3A_478 = tpu.memref_squeeze %dma_start3A_477 : memref<1x8x4096xf32, #tpu.memory_space<vmem>> -> memref<8x4096xf32, #tpu.memory_space<vmem>>
      %dma_start3A_479 = arith.constant 0 : i32
      %dma_start3A_480 = tpu.memref_slice %arg4[%add3A_473, %dma_start3A_479] : memref<8192x4096xf32, #tpu.memory_space<hbm>> -> memref<8x4096xf32, #tpu.memory_space<hbm>>
      %dma_start3A_481 = arith.constant 0 : i32
      %dma_start3A_482 = tpu.memref_slice %arg4[%add3A_473, %dma_start3A_481] : memref<8192x4096xf32, #tpu.memory_space<hbm>> -> memref<8x4096xf32, #tpu.memory_space<hbm>>
      %dma_start3A_483 = arith.constant 0 : i32
      %dma_start3A_484 = arith.constant 0 : i32
      %dma_start3A_485 = tpu.memref_slice %arg6[%dma_start3A_474, %dma_start3A_483, %dma_start3A_484] : memref<3x8x4096xf32, #tpu.memory_space<vmem>> -> memref<1x8x4096xf32, #tpu.memory_space<vmem>>
      %dma_start3A_486 = tpu.memref_squeeze %dma_start3A_485 : memref<1x8x4096xf32, #tpu.memory_space<vmem>> -> memref<8x4096xf32, #tpu.memory_space<vmem>>
      tpu.enqueue_dma source(%dma_start3A_486 : memref<8x4096xf32, #tpu.memory_space<vmem>>) target(%dma_start3A_482 : memref<8x4096xf32, #tpu.memory_space<hbm>>) target_semaphore(%arg10 : memref<!tpu.dma_semaphore, #tpu.memory_space<semaphore_mem>>)
    }
    %scan3A_185 = arith.constant 10 : i32
    %add3A_186 = arith.constant 216 : i32
    %add3A_187 = arith.addi %add3A_35, %add3A_186 : i32
    %dma_wait3A = arith.constant 0 : i32
    %dma_wait3A_188 = arith.constant 0 : i32
    %dma_wait3A_189 = arith.constant 0 : i32
    %dma_wait3A_190 = tpu.memref_slice %arg6[%dma_wait3A, %dma_wait3A_188, %dma_wait3A_189] : memref<3x8x4096xf32, #tpu.memory_space<vmem>> -> memref<1x8x4096xf32, #tpu.memory_space<vmem>>
    %dma_wait3A_191 = tpu.memref_squeeze %dma_wait3A_190 : memref<1x8x4096xf32, #tpu.memory_space<vmem>> -> memref<8x4096xf32, #tpu.memory_space<vmem>>
    %dma_wait3A_192 = arith.constant 0 : i32
    %dma_wait3A_193 = tpu.memref_slice %arg4[%add3A_187, %dma_wait3A_192] : memref<8192x4096xf32, #tpu.memory_space<hbm>> -> memref<8x4096xf32, #tpu.memory_space<hbm>>
    %dma_wait3A_194 = arith.constant 0 : i32
    %dma_wait3A_195 = tpu.memref_slice %arg4[%add3A_187, %dma_wait3A_194] : memref<8192x4096xf32, #tpu.memory_space<hbm>> -> memref<8x4096xf32, #tpu.memory_space<hbm>>
    %dma_wait3A_196 = arith.constant 0 : i32
    %dma_wait3A_197 = arith.constant 0 : i32
    %dma_wait3A_198 = tpu.memref_slice %arg6[%dma_wait3A, %dma_wait3A_196, %dma_wait3A_197] : memref<3x8x4096xf32, #tpu.memory_space<vmem>> -> memref<1x8x4096xf32, #tpu.memory_space<vmem>>
    %dma_wait3A_199 = tpu.memref_squeeze %dma_wait3A_198 : memref<1x8x4096xf32, #tpu.memory_space<vmem>> -> memref<8x4096xf32, #tpu.memory_space<vmem>>
    tpu.wait_dma2 semaphore(%arg10 : memref<!tpu.dma_semaphore, #tpu.memory_space<semaphore_mem>>) src(%dma_wait3A_199 : memref<8x4096xf32, #tpu.memory_space<vmem>>) dst(%dma_wait3A_195 : memref<8x4096xf32, #tpu.memory_space<hbm>>)
    %multiple_of3A = arith.constant 240 : i32
    %multiple_of3A_200 = tpu.assume_multiple %multiple_of3A, 8 : i32
    %dma_start3A = arith.constant 0 : i32
    %dma_start3A_201 = arith.constant 0 : i32
    %dma_start3A_202 = arith.constant 0 : i32
    %dma_start3A_203 = tpu.memref_slice %arg6[%dma_start3A, %dma_start3A_201, %dma_start3A_202] : memref<3x8x4096xf32, #tpu.memory_space<vmem>> -> memref<1x8x4096xf32, #tpu.memory_space<vmem>>
    %dma_start3A_204 = tpu.memref_squeeze %dma_start3A_203 : memref<1x8x4096xf32, #tpu.memory_space<vmem>> -> memref<8x4096xf32, #tpu.memory_space<vmem>>
    %dma_start3A_205 = tpu.memref_slice %arg5[%multiple_of3A_200] : memref<256xi32, #tpu.memory_space<vmem>> -> memref<8xi32, #tpu.memory_space<vmem>>
    %dma_start3A_206 = arith.constant 0 : i32
    %dma_start3A_207 = arith.constant 0 : i32
    %dma_start3A_208 = tpu.memref_slice %arg2[%dma_start3A_206, %dma_start3A_207] : memref<8192x4096xf32, #tpu.memory_space<hbm>> -> memref<8192x4096xf32, #tpu.memory_space<hbm>>
    tpu.enqueue_indirect_dma source(%dma_start3A_208 : memref<8192x4096xf32, #tpu.memory_space<hbm>>) target(%dma_start3A_204 : memref<8x4096xf32, #tpu.memory_space<vmem>>) offsets(%dma_start3A_205 : memref<8xi32, #tpu.memory_space<vmem>>) semaphore(%arg7 : memref<!tpu.dma_semaphore, #tpu.memory_space<semaphore_mem>>)
    %multiple_of3A_209 = arith.constant 224 : i32
    %multiple_of3A_210 = tpu.assume_multiple %multiple_of3A_209, 8 : i32
    %dma_wait3A_211 = arith.constant 1 : i32
    %dma_wait3A_212 = arith.constant 0 : i32
    %dma_wait3A_213 = arith.constant 0 : i32
    %dma_wait3A_214 = tpu.memref_slice %arg6[%dma_wait3A_211, %dma_wait3A_212, %dma_wait3A_213] : memref<3x8x4096xf32, #tpu.memory_space<vmem>> -> memref<1x8x4096xf32, #tpu.memory_space<vmem>>
    %dma_wait3A_215 = tpu.memref_squeeze %dma_wait3A_214 : memref<1x8x4096xf32, #tpu.memory_space<vmem>> -> memref<8x4096xf32, #tpu.memory_space<vmem>>
    %dma_wait3A_216 = tpu.memref_slice %arg5[%multiple_of3A_210] : memref<256xi32, #tpu.memory_space<vmem>> -> memref<8xi32, #tpu.memory_space<vmem>>
    %dma_wait3A_217 = arith.constant 0 : i32
    %dma_wait3A_218 = arith.constant 0 : i32
    %dma_wait3A_219 = tpu.memref_slice %arg2[%dma_wait3A_217, %dma_wait3A_218] : memref<8192x4096xf32, #tpu.memory_space<hbm>> -> memref<8192x4096xf32, #tpu.memory_space<hbm>>
    tpu.wait_indirect_dma semaphore(%arg8 : memref<!tpu.dma_semaphore, #tpu.memory_space<semaphore_mem>>) src(%dma_wait3A_219 : memref<8192x4096xf32, #tpu.memory_space<hbm>>) dst(%dma_wait3A_215 : memref<8x4096xf32, #tpu.memory_space<vmem>>)
    %add3A_220 = arith.constant 224 : i32
    %add3A_221 = arith.addi %add3A_35, %add3A_220 : i32
    %dma_start3A_222 = arith.constant 1 : i32
    %dma_start3A_223 = arith.constant 0 : i32
    %dma_start3A_224 = arith.constant 0 : i32
    %dma_start3A_225 = tpu.memref_slice %arg6[%dma_start3A_222, %dma_start3A_223, %dma_start3A_224] : memref<3x8x4096xf32, #tpu.memory_space<vmem>> -> memref<1x8x4096xf32, #tpu.memory_space<vmem>>
    %dma_start3A_226 = tpu.memref_squeeze %dma_start3A_225 : memref<1x8x4096xf32, #tpu.memory_space<vmem>> -> memref<8x4096xf32, #tpu.memory_space<vmem>>
    %dma_start3A_227 = arith.constant 0 : i32
    %dma_start3A_228 = tpu.memref_slice %arg4[%add3A_221, %dma_start3A_227] : memref<8192x4096xf32, #tpu.memory_space<hbm>> -> memref<8x4096xf32, #tpu.memory_space<hbm>>
    %dma_start3A_229 = arith.constant 0 : i32
    %dma_start3A_230 = tpu.memref_slice %arg4[%add3A_221, %dma_start3A_229] : memref<8192x4096xf32, #tpu.memory_space<hbm>> -> memref<8x4096xf32, #tpu.memory_space<hbm>>
    %dma_start3A_231 = arith.constant 0 : i32
    %dma_start3A_232 = arith.constant 0 : i32
    %dma_start3A_233 = tpu.memref_slice %arg6[%dma_start3A_222, %dma_start3A_231, %dma_start3A_232] : memref<3x8x4096xf32, #tpu.memory_space<vmem>> -> memref<1x8x4096xf32, #tpu.memory_space<vmem>>
    %dma_start3A_234 = tpu.memref_squeeze %dma_start3A_233 : memref<1x8x4096xf32, #tpu.memory_space<vmem>> -> memref<8x4096xf32, #tpu.memory_space<vmem>>
    tpu.enqueue_dma source(%dma_start3A_234 : memref<8x4096xf32, #tpu.memory_space<vmem>>) target(%dma_start3A_230 : memref<8x4096xf32, #tpu.memory_space<hbm>>) target_semaphore(%arg11 : memref<!tpu.dma_semaphore, #tpu.memory_space<semaphore_mem>>)
    %add3A_235 = arith.constant 224 : i32
    %add3A_236 = arith.addi %add3A_35, %add3A_235 : i32
    %dma_wait3A_237 = arith.constant 1 : i32
    %dma_wait3A_238 = arith.constant 0 : i32
    %dma_wait3A_239 = arith.constant 0 : i32
    %dma_wait3A_240 = tpu.memref_slice %arg6[%dma_wait3A_237, %dma_wait3A_238, %dma_wait3A_239] : memref<3x8x4096xf32, #tpu.memory_space<vmem>> -> memref<1x8x4096xf32, #tpu.memory_space<vmem>>
    %dma_wait3A_241 = tpu.memref_squeeze %dma_wait3A_240 : memref<1x8x4096xf32, #tpu.memory_space<vmem>> -> memref<8x4096xf32, #tpu.memory_space<vmem>>
    %dma_wait3A_242 = arith.constant 0 : i32
    %dma_wait3A_243 = tpu.memref_slice %arg4[%add3A_236, %dma_wait3A_242] : memref<8192x4096xf32, #tpu.memory_space<hbm>> -> memref<8x4096xf32, #tpu.memory_space<hbm>>
    %dma_wait3A_244 = arith.constant 0 : i32
    %dma_wait3A_245 = tpu.memref_slice %arg4[%add3A_236, %dma_wait3A_244] : memref<8192x4096xf32, #tpu.memory_space<hbm>> -> memref<8x4096xf32, #tpu.memory_space<hbm>>
    %dma_wait3A_246 = arith.constant 0 : i32
    %dma_wait3A_247 = arith.constant 0 : i32
    %dma_wait3A_248 = tpu.memref_slice %arg6[%dma_wait3A_237, %dma_wait3A_246, %dma_wait3A_247] : memref<3x8x4096xf32, #tpu.memory_space<vmem>> -> memref<1x8x4096xf32, #tpu.memory_space<vmem>>
    %dma_wait3A_249 = tpu.memref_squeeze %dma_wait3A_248 : memref<1x8x4096xf32, #tpu.memory_space<vmem>> -> memref<8x4096xf32, #tpu.memory_space<vmem>>
    tpu.wait_dma2 semaphore(%arg11 : memref<!tpu.dma_semaphore, #tpu.memory_space<semaphore_mem>>) src(%dma_wait3A_249 : memref<8x4096xf32, #tpu.memory_space<vmem>>) dst(%dma_wait3A_245 : memref<8x4096xf32, #tpu.memory_space<hbm>>)
    %multiple_of3A_250 = arith.constant 248 : i32
    %multiple_of3A_251 = tpu.assume_multiple %multiple_of3A_250, 8 : i32
    %dma_start3A_252 = arith.constant 1 : i32
    %dma_start3A_253 = arith.constant 0 : i32
    %dma_start3A_254 = arith.constant 0 : i32
    %dma_start3A_255 = tpu.memref_slice %arg6[%dma_start3A_252, %dma_start3A_253, %dma_start3A_254] : memref<3x8x4096xf32, #tpu.memory_space<vmem>> -> memref<1x8x4096xf32, #tpu.memory_space<vmem>>
    %dma_start3A_256 = tpu.memref_squeeze %dma_start3A_255 : memref<1x8x4096xf32, #tpu.memory_space<vmem>> -> memref<8x4096xf32, #tpu.memory_space<vmem>>
    %dma_start3A_257 = tpu.memref_slice %arg5[%multiple_of3A_251] : memref<256xi32, #tpu.memory_space<vmem>> -> memref<8xi32, #tpu.memory_space<vmem>>
    %dma_start3A_258 = arith.constant 0 : i32
    %dma_start3A_259 = arith.constant 0 : i32
    %dma_start3A_260 = tpu.memref_slice %arg2[%dma_start3A_258, %dma_start3A_259] : memref<8192x4096xf32, #tpu.memory_space<hbm>> -> memref<8192x4096xf32, #tpu.memory_space<hbm>>
    tpu.enqueue_indirect_dma source(%dma_start3A_260 : memref<8192x4096xf32, #tpu.memory_space<hbm>>) target(%dma_start3A_256 : memref<8x4096xf32, #tpu.memory_space<vmem>>) offsets(%dma_start3A_257 : memref<8xi32, #tpu.memory_space<vmem>>) semaphore(%arg8 : memref<!tpu.dma_semaphore, #tpu.memory_space<semaphore_mem>>)
    %multiple_of3A_261 = arith.constant 232 : i32
    %multiple_of3A_262 = tpu.assume_multiple %multiple_of3A_261, 8 : i32
    %dma_wait3A_263 = arith.constant 2 : i32
    %dma_wait3A_264 = arith.constant 0 : i32
    %dma_wait3A_265 = arith.constant 0 : i32
    %dma_wait3A_266 = tpu.memref_slice %arg6[%dma_wait3A_263, %dma_wait3A_264, %dma_wait3A_265] : memref<3x8x4096xf32, #tpu.memory_space<vmem>> -> memref<1x8x4096xf32, #tpu.memory_space<vmem>>
    %dma_wait3A_267 = tpu.memref_squeeze %dma_wait3A_266 : memref<1x8x4096xf32, #tpu.memory_space<vmem>> -> memref<8x4096xf32, #tpu.memory_space<vmem>>
    %dma_wait3A_268 = tpu.memref_slice %arg5[%multiple_of3A_262] : memref<256xi32, #tpu.memory_space<vmem>> -> memref<8xi32, #tpu.memory_space<vmem>>
    %dma_wait3A_269 = arith.constant 0 : i32
    %dma_wait3A_270 = arith.constant 0 : i32
    %dma_wait3A_271 = tpu.memref_slice %arg2[%dma_wait3A_269, %dma_wait3A_270] : memref<8192x4096xf32, #tpu.memory_space<hbm>> -> memref<8192x4096xf32, #tpu.memory_space<hbm>>
    tpu.wait_indirect_dma semaphore(%arg9 : memref<!tpu.dma_semaphore, #tpu.memory_space<semaphore_mem>>) src(%dma_wait3A_271 : memref<8192x4096xf32, #tpu.memory_space<hbm>>) dst(%dma_wait3A_267 : memref<8x4096xf32, #tpu.memory_space<vmem>>)
    %add3A_272 = arith.constant 232 : i32
    %add3A_273 = arith.addi %add3A_35, %add3A_272 : i32
    %dma_start3A_274 = arith.constant 2 : i32
    %dma_start3A_275 = arith.constant 0 : i32
    %dma_start3A_276 = arith.constant 0 : i32
    %dma_start3A_277 = tpu.memref_slice %arg6[%dma_start3A_274, %dma_start3A_275, %dma_start3A_276] : memref<3x8x4096xf32, #tpu.memory_space<vmem>> -> memref<1x8x4096xf32, #tpu.memory_space<vmem>>
    %dma_start3A_278 = tpu.memref_squeeze %dma_start3A_277 : memref<1x8x4096xf32, #tpu.memory_space<vmem>> -> memref<8x4096xf32, #tpu.memory_space<vmem>>
    %dma_start3A_279 = arith.constant 0 : i32
    %dma_start3A_280 = tpu.memref_slice %arg4[%add3A_273, %dma_start3A_279] : memref<8192x4096xf32, #tpu.memory_space<hbm>> -> memref<8x4096xf32, #tpu.memory_space<hbm>>
    %dma_start3A_281 = arith.constant 0 : i32
    %dma_start3A_282 = tpu.memref_slice %arg4[%add3A_273, %dma_start3A_281] : memref<8192x4096xf32, #tpu.memory_space<hbm>> -> memref<8x4096xf32, #tpu.memory_space<hbm>>
    %dma_start3A_283 = arith.constant 0 : i32
    %dma_start3A_284 = arith.constant 0 : i32
    %dma_start3A_285 = tpu.memref_slice %arg6[%dma_start3A_274, %dma_start3A_283, %dma_start3A_284] : memref<3x8x4096xf32, #tpu.memory_space<vmem>> -> memref<1x8x4096xf32, #tpu.memory_space<vmem>>
    %dma_start3A_286 = tpu.memref_squeeze %dma_start3A_285 : memref<1x8x4096xf32, #tpu.memory_space<vmem>> -> memref<8x4096xf32, #tpu.memory_space<vmem>>
    tpu.enqueue_dma source(%dma_start3A_286 : memref<8x4096xf32, #tpu.memory_space<vmem>>) target(%dma_start3A_282 : memref<8x4096xf32, #tpu.memory_space<hbm>>) target_semaphore(%arg12 : memref<!tpu.dma_semaphore, #tpu.memory_space<semaphore_mem>>)
    %multiple_of3A_287 = arith.constant 240 : i32
    %multiple_of3A_288 = tpu.assume_multiple %multiple_of3A_287, 8 : i32
    %dma_wait3A_289 = arith.constant 0 : i32
    %dma_wait3A_290 = arith.constant 0 : i32
    %dma_wait3A_291 = arith.constant 0 : i32
    %dma_wait3A_292 = tpu.memref_slice %arg6[%dma_wait3A_289, %dma_wait3A_290, %dma_wait3A_291] : memref<3x8x4096xf32, #tpu.memory_space<vmem>> -> memref<1x8x4096xf32, #tpu.memory_space<vmem>>
    %dma_wait3A_293 = tpu.memref_squeeze %dma_wait3A_292 : memref<1x8x4096xf32, #tpu.memory_space<vmem>> -> memref<8x4096xf32, #tpu.memory_space<vmem>>
    %dma_wait3A_294 = tpu.memref_slice %arg5[%multiple_of3A_288] : memref<256xi32, #tpu.memory_space<vmem>> -> memref<8xi32, #tpu.memory_space<vmem>>
    %dma_wait3A_295 = arith.constant 0 : i32
    %dma_wait3A_296 = arith.constant 0 : i32
    %dma_wait3A_297 = tpu.memref_slice %arg2[%dma_wait3A_295, %dma_wait3A_296] : memref<8192x4096xf32, #tpu.memory_space<hbm>> -> memref<8192x4096xf32, #tpu.memory_space<hbm>>
    tpu.wait_indirect_dma semaphore(%arg7 : memref<!tpu.dma_semaphore, #tpu.memory_space<semaphore_mem>>) src(%dma_wait3A_297 : memref<8192x4096xf32, #tpu.memory_space<hbm>>) dst(%dma_wait3A_293 : memref<8x4096xf32, #tpu.memory_space<vmem>>)
    %add3A_298 = arith.constant 240 : i32
    %add3A_299 = arith.addi %add3A_35, %add3A_298 : i32
    %dma_start3A_300 = arith.constant 0 : i32
    %dma_start3A_301 = arith.constant 0 : i32
    %dma_start3A_302 = arith.constant 0 : i32
    %dma_start3A_303 = tpu.memref_slice %arg6[%dma_start3A_300, %dma_start3A_301, %dma_start3A_302] : memref<3x8x4096xf32, #tpu.memory_space<vmem>> -> memref<1x8x4096xf32, #tpu.memory_space<vmem>>
    %dma_start3A_304 = tpu.memref_squeeze %dma_start3A_303 : memref<1x8x4096xf32, #tpu.memory_space<vmem>> -> memref<8x4096xf32, #tpu.memory_space<vmem>>
    %dma_start3A_305 = arith.constant 0 : i32
    %dma_start3A_306 = tpu.memref_slice %arg4[%add3A_299, %dma_start3A_305] : memref<8192x4096xf32, #tpu.memory_space<hbm>> -> memref<8x4096xf32, #tpu.memory_space<hbm>>
    %dma_start3A_307 = arith.constant 0 : i32
    %dma_start3A_308 = tpu.memref_slice %arg4[%add3A_299, %dma_start3A_307] : memref<8192x4096xf32, #tpu.memory_space<hbm>> -> memref<8x4096xf32, #tpu.memory_space<hbm>>
    %dma_start3A_309 = arith.constant 0 : i32
    %dma_start3A_310 = arith.constant 0 : i32
    %dma_start3A_311 = tpu.memref_slice %arg6[%dma_start3A_300, %dma_start3A_309, %dma_start3A_310] : memref<3x8x4096xf32, #tpu.memory_space<vmem>> -> memref<1x8x4096xf32, #tpu.memory_space<vmem>>
    %dma_start3A_312 = tpu.memref_squeeze %dma_start3A_311 : memref<1x8x4096xf32, #tpu.memory_space<vmem>> -> memref<8x4096xf32, #tpu.memory_space<vmem>>
    tpu.enqueue_dma source(%dma_start3A_312 : memref<8x4096xf32, #tpu.memory_space<vmem>>) target(%dma_start3A_308 : memref<8x4096xf32, #tpu.memory_space<hbm>>) target_semaphore(%arg10 : memref<!tpu.dma_semaphore, #tpu.memory_space<semaphore_mem>>)
    %multiple_of3A_313 = arith.constant 248 : i32
    %multiple_of3A_314 = tpu.assume_multiple %multiple_of3A_313, 8 : i32
    %dma_wait3A_315 = arith.constant 1 : i32
    %dma_wait3A_316 = arith.constant 0 : i32
    %dma_wait3A_317 = arith.constant 0 : i32
    %dma_wait3A_318 = tpu.memref_slice %arg6[%dma_wait3A_315, %dma_wait3A_316, %dma_wait3A_317] : memref<3x8x4096xf32, #tpu.memory_space<vmem>> -> memref<1x8x4096xf32, #tpu.memory_space<vmem>>
    %dma_wait3A_319 = tpu.memref_squeeze %dma_wait3A_318 : memref<1x8x4096xf32, #tpu.memory_space<vmem>> -> memref<8x4096xf32, #tpu.memory_space<vmem>>
    %dma_wait3A_320 = tpu.memref_slice %arg5[%multiple_of3A_314] : memref<256xi32, #tpu.memory_space<vmem>> -> memref<8xi32, #tpu.memory_space<vmem>>
    %dma_wait3A_321 = arith.constant 0 : i32
    %dma_wait3A_322 = arith.constant 0 : i32
    %dma_wait3A_323 = tpu.memref_slice %arg2[%dma_wait3A_321, %dma_wait3A_322] : memref<8192x4096xf32, #tpu.memory_space<hbm>> -> memref<8192x4096xf32, #tpu.memory_space<hbm>>
    tpu.wait_indirect_dma semaphore(%arg8 : memref<!tpu.dma_semaphore, #tpu.memory_space<semaphore_mem>>) src(%dma_wait3A_323 : memref<8192x4096xf32, #tpu.memory_space<hbm>>) dst(%dma_wait3A_319 : memref<8x4096xf32, #tpu.memory_space<vmem>>)
    %add3A_324 = arith.constant 248 : i32
    %add3A_325 = arith.addi %add3A_35, %add3A_324 : i32
    %dma_start3A_326 = arith.constant 1 : i32
    %dma_start3A_327 = arith.constant 0 : i32
    %dma_start3A_328 = arith.constant 0 : i32
    %dma_start3A_329 = tpu.memref_slice %arg6[%dma_start3A_326, %dma_start3A_327, %dma_start3A_328] : memref<3x8x4096xf32, #tpu.memory_space<vmem>> -> memref<1x8x4096xf32, #tpu.memory_space<vmem>>
    %dma_start3A_330 = tpu.memref_squeeze %dma_start3A_329 : memref<1x8x4096xf32, #tpu.memory_space<vmem>> -> memref<8x4096xf32, #tpu.memory_space<vmem>>
    %dma_start3A_331 = arith.constant 0 : i32
    %dma_start3A_332 = tpu.memref_slice %arg4[%add3A_325, %dma_start3A_331] : memref<8192x4096xf32, #tpu.memory_space<hbm>> -> memref<8x4096xf32, #tpu.memory_space<hbm>>
    %dma_start3A_333 = arith.constant 0 : i32
    %dma_start3A_334 = tpu.memref_slice %arg4[%add3A_325, %dma_start3A_333] : memref<8192x4096xf32, #tpu.memory_space<hbm>> -> memref<8x4096xf32, #tpu.memory_space<hbm>>
    %dma_start3A_335 = arith.constant 0 : i32
    %dma_start3A_336 = arith.constant 0 : i32
    %dma_start3A_337 = tpu.memref_slice %arg6[%dma_start3A_326, %dma_start3A_335, %dma_start3A_336] : memref<3x8x4096xf32, #tpu.memory_space<vmem>> -> memref<1x8x4096xf32, #tpu.memory_space<vmem>>
    %dma_start3A_338 = tpu.memref_squeeze %dma_start3A_337 : memref<1x8x4096xf32, #tpu.memory_space<vmem>> -> memref<8x4096xf32, #tpu.memory_space<vmem>>
    tpu.enqueue_dma source(%dma_start3A_338 : memref<8x4096xf32, #tpu.memory_space<vmem>>) target(%dma_start3A_334 : memref<8x4096xf32, #tpu.memory_space<hbm>>) target_semaphore(%arg11 : memref<!tpu.dma_semaphore, #tpu.memory_space<semaphore_mem>>)
    %add3A_339 = arith.constant 232 : i32
    %add3A_340 = arith.addi %add3A_35, %add3A_339 : i32
    %dma_wait3A_341 = arith.constant 2 : i32
    %dma_wait3A_342 = arith.constant 0 : i32
    %dma_wait3A_343 = arith.constant 0 : i32
    %dma_wait3A_344 = tpu.memref_slice %arg6[%dma_wait3A_341, %dma_wait3A_342, %dma_wait3A_343] : memref<3x8x4096xf32, #tpu.memory_space<vmem>> -> memref<1x8x4096xf32, #tpu.memory_space<vmem>>
    %dma_wait3A_345 = tpu.memref_squeeze %dma_wait3A_344 : memref<1x8x4096xf32, #tpu.memory_space<vmem>> -> memref<8x4096xf32, #tpu.memory_space<vmem>>
    %dma_wait3A_346 = arith.constant 0 : i32
    %dma_wait3A_347 = tpu.memref_slice %arg4[%add3A_340, %dma_wait3A_346] : memref<8192x4096xf32, #tpu.memory_space<hbm>> -> memref<8x4096xf32, #tpu.memory_space<hbm>>
    %dma_wait3A_348 = arith.constant 0 : i32
    %dma_wait3A_349 = tpu.memref_slice %arg4[%add3A_340, %dma_wait3A_348] : memref<8192x4096xf32, #tpu.memory_space<hbm>> -> memref<8x4096xf32, #tpu.memory_space<hbm>>
    %dma_wait3A_350 = arith.constant 0 : i32
    %dma_wait3A_351 = arith.constant 0 : i32
    %dma_wait3A_352 = tpu.memref_slice %arg6[%dma_wait3A_341, %dma_wait3A_350, %dma_wait3A_351] : memref<3x8x4096xf32, #tpu.memory_space<vmem>> -> memref<1x8x4096xf32, #tpu.memory_space<vmem>>
    %dma_wait3A_353 = tpu.memref_squeeze %dma_wait3A_352 : memref<1x8x4096xf32, #tpu.memory_space<vmem>> -> memref<8x4096xf32, #tpu.memory_space<vmem>>
    tpu.wait_dma2 semaphore(%arg12 : memref<!tpu.dma_semaphore, #tpu.memory_space<semaphore_mem>>) src(%dma_wait3A_353 : memref<8x4096xf32, #tpu.memory_space<vmem>>) dst(%dma_wait3A_349 : memref<8x4096xf32, #tpu.memory_space<hbm>>)
    %add3A_354 = arith.constant 240 : i32
    %add3A_355 = arith.addi %add3A_35, %add3A_354 : i32
    %dma_wait3A_356 = arith.constant 0 : i32
    %dma_wait3A_357 = arith.constant 0 : i32
    %dma_wait3A_358 = arith.constant 0 : i32
    %dma_wait3A_359 = tpu.memref_slice %arg6[%dma_wait3A_356, %dma_wait3A_357, %dma_wait3A_358] : memref<3x8x4096xf32, #tpu.memory_space<vmem>> -> memref<1x8x4096xf32, #tpu.memory_space<vmem>>
    %dma_wait3A_360 = tpu.memref_squeeze %dma_wait3A_359 : memref<1x8x4096xf32, #tpu.memory_space<vmem>> -> memref<8x4096xf32, #tpu.memory_space<vmem>>
    %dma_wait3A_361 = arith.constant 0 : i32
    %dma_wait3A_362 = tpu.memref_slice %arg4[%add3A_355, %dma_wait3A_361] : memref<8192x4096xf32, #tpu.memory_space<hbm>> -> memref<8x4096xf32, #tpu.memory_space<hbm>>
    %dma_wait3A_363 = arith.constant 0 : i32
    %dma_wait3A_364 = tpu.memref_slice %arg4[%add3A_355, %dma_wait3A_363] : memref<8192x4096xf32, #tpu.memory_space<hbm>> -> memref<8x4096xf32, #tpu.memory_space<hbm>>
    %dma_wait3A_365 = arith.constant 0 : i32
    %dma_wait3A_366 = arith.constant 0 : i32
    %dma_wait3A_367 = tpu.memref_slice %arg6[%dma_wait3A_356, %dma_wait3A_365, %dma_wait3A_366] : memref<3x8x4096xf32, #tpu.memory_space<vmem>> -> memref<1x8x4096xf32, #tpu.memory_space<vmem>>
    %dma_wait3A_368 = tpu.memref_squeeze %dma_wait3A_367 : memref<1x8x4096xf32, #tpu.memory_space<vmem>> -> memref<8x4096xf32, #tpu.memory_space<vmem>>
    tpu.wait_dma2 semaphore(%arg10 : memref<!tpu.dma_semaphore, #tpu.memory_space<semaphore_mem>>) src(%dma_wait3A_368 : memref<8x4096xf32, #tpu.memory_space<vmem>>) dst(%dma_wait3A_364 : memref<8x4096xf32, #tpu.memory_space<hbm>>)
    %add3A_369 = arith.constant 248 : i32
    %add3A_370 = arith.addi %add3A_35, %add3A_369 : i32
    %dma_wait3A_371 = arith.constant 1 : i32
    %dma_wait3A_372 = arith.constant 0 : i32
    %dma_wait3A_373 = arith.constant 0 : i32
    %dma_wait3A_374 = tpu.memref_slice %arg6[%dma_wait3A_371, %dma_wait3A_372, %dma_wait3A_373] : memref<3x8x4096xf32, #tpu.memory_space<vmem>> -> memref<1x8x4096xf32, #tpu.memory_space<vmem>>
    %dma_wait3A_375 = tpu.memref_squeeze %dma_wait3A_374 : memref<1x8x4096xf32, #tpu.memory_space<vmem>> -> memref<8x4096xf32, #tpu.memory_space<vmem>>
    %dma_wait3A_376 = arith.constant 0 : i32
    %dma_wait3A_377 = tpu.memref_slice %arg4[%add3A_370, %dma_wait3A_376] : memref<8192x4096xf32, #tpu.memory_space<hbm>> -> memref<8x4096xf32, #tpu.memory_space<hbm>>
    %dma_wait3A_378 = arith.constant 0 : i32
    %dma_wait3A_379 = tpu.memref_slice %arg4[%add3A_370, %dma_wait3A_378] : memref<8192x4096xf32, #tpu.memory_space<hbm>> -> memref<8x4096xf32, #tpu.memory_space<hbm>>
    %dma_wait3A_380 = arith.constant 0 : i32
    %dma_wait3A_381 = arith.constant 0 : i32
    %dma_wait3A_382 = tpu.memref_slice %arg6[%dma_wait3A_371, %dma_wait3A_380, %dma_wait3A_381] : memref<3x8x4096xf32, #tpu.memory_space<vmem>> -> memref<1x8x4096xf32, #tpu.memory_space<vmem>>
    %dma_wait3A_383 = tpu.memref_squeeze %dma_wait3A_382 : memref<1x8x4096xf32, #tpu.memory_space<vmem>> -> memref<8x4096xf32, #tpu.memory_space<vmem>>
    tpu.wait_dma2 semaphore(%arg11 : memref<!tpu.dma_semaphore, #tpu.memory_space<semaphore_mem>>) src(%dma_wait3A_383 : memref<8x4096xf32, #tpu.memory_space<vmem>>) dst(%dma_wait3A_379 : memref<8x4096xf32, #tpu.memory_space<hbm>>)
    return
  }
}

</mosaic_0001>

<sc_bundles>
// kernel: kernel.3.cloned.1.call-start
scs
__scs_entry_jumppad:
0x0: {  	(pc) =	sbr.rel $0x88, $3  }
0x1: {  	(tag) =	ssettag $0x0;
	lr =	simm.s32 $0x1  }
0x2: {  	[smem:$0x3F9F] =	sst lr;
	_ =	strace $0xD0000000  }
0x3: {  	_ = 	snop  }
0x4: {  	_ = 	snop  }
0x5: {  	_ = 	snop  }
0x6: {  	_ = 	snop  }
0x7: {  	_ = 	snop  }
__scs_overlays_trampoline_lowered:
0x8: {  	[smem:$0x3FAE] =	sst s0  }
0x9: {  	[smem:$0x3FAF] =	sst s1  }
0xa: {  	[smem:$0x3FB0] =	sst s2  }
0xb: {  	[smem:$0x3FB1] =	sst s3  }
0xc: {  	[smem:$0x3FB2] =	sst s4  }
0xd: {  	[smem:$0x3FB3] =	sst s5  }
0xe: {  	[smem:$0x3FB4] =	sst s6  }
0xf: {  	[smem:$0x3FB5] =	sst s7  }
0x10: {  	[smem:$0x3FB6] =	sst s8  }
0x11: {  	[smem:$0x3FB7] =	sst s9;
	s0 =	simm.s32 @!p0 $0x0  }
0x12: {  	s1 =	sld [smem:$0x3F9D];
	s0 =	simm.s32 @p0 $0x1  }
0x13: {  	[smem:$0x3FB8] =	sst s0;
	s0 =	simm.s32 @!p1 $0x0  }
0x14: {  	s2 =	sld [smem:$0x3F9C];
	s0 =	simm.s32 @p1 $0x1  }
0x15: {  	[smem:$0x3FB9] =	sst s0;
	s0 =	simm.s32 @!p2 $0x0  }
0x16: {  	s3 =	sld [smem:$0x3FDB];
	s0 =	simm.s32 @p2 $0x1  }
0x17: {  	s4 =	simm.s32 $0x1BF5;
	[smem:$0x3FBB] =	sst s0  }
0x18: {  	s0 =	sld [smem:$0x3F9E];
	_ =	swait.ge [sflag:s4], $0x0  }
0x19: {  	s7 =	sld [smem:$0x3F9F]  }
0x1a: {  	s8 =	sadd.s32 $0xFFFFE003, lr  }
0x1b: {  	s9 =	sadd.s32 $0xFFFFFEF7, lr;
	s5 =	simm.s32 $0xFFFFFFFF;
	p2 =	slt.u32 s8, $0xFFFFF086  }
0x1c: {  	p1 =	slt.u32 s9, $0xF7A;
	s5 =	simm.s32 @!p2 $0x0  }
0x1d: {  	s5 =	simm.s32 @p1 $0x1;
	p0 =	seq.s32 s7, s2  }
0x1e: {  	s7 =	smul.u32 @!p0 $0xF7A, s2;
	p2 =	seq.s32 @!p0 s5, $0x0  }
0x1f: {  	s9 =	smul.u32 $0xF7A, s1;
	s8 =	simm.s32 @!p0 $0x1BF5;
	p2 =	por !p2, p0  }
0x20: {  	[sflag:s8] =	ssyncset.s32 @!p0 $0xFFFFF086;
	s6 =	sadd.s32 @!p0 s3, s7;
	s7 =	simm.s32 @!p0 $0x108  }
0x21: {  	s3 =	sadd.s32 s3, s9;
	s6 =	sadd.s32 @!p0 $0x88, s6;
	s7 =	simm.s32 @p2 $0x1082  }
0x22: {  	[simem:s7], [sflag:s8] =	dma.local @!p0 [hbm:s6], $0xF7A  }
0x23: {  	s9 =	sor.u32 $0xD0000000, s2;
	s6 =	simm.s32 $0x108;
	_ =	swait.ge @!p0 [sflag:s8], $0x0  }
0x24: {  	s3 =	sadd.s32 $0x88, s3;
	s6 =	simm.s32 @!p1 $0x1082;
	[sflag:s4] =	ssyncset.s32 $0xFFFFF086  }
0x25: {  	[simem:s6], [sflag:s4] =	dma.local [hbm:s3], $0xF7A  }
0x26: {  	[smem:$0x3F9F] =	sst s1;
	(tag) =	ssettag s2;
	_ =	strace s9  }
0x27: {  	s1 =	sld [smem:$0x3FAF]  }
0x28: {  	s2 =	sld [smem:$0x3FB0]  }
0x29: {  	s4 =	sld [smem:$0x3FB2]  }
0x2a: {  	p0 =	seq.s32 s5, $0x0;
	s5 =	sld [smem:$0x3FB3]  }
0x2b: {  	s6 =	sld [smem:$0x3FB4]  }
0x2c: {  	s7 =	sld [smem:$0x3FB5]  }
0x2d: {  	s3 =	simm.s32 $0x108;
	s8 =	sld [smem:$0x3FB6]  }
0x2e: {  	s3 =	simm.s32 @!p0 $0x1082;
	s9 =	sld [smem:$0x3FB7]  }
0x2f: {  	lr =	sadd.s32 s0, s3;
	s0 =	sld [smem:$0x3FAE]  }
0x30: {  	s3 =	sld [smem:$0x3FB1]  }
0x31: {  	[smem:$0x3FBA] =	sst s10  }
0x32: {  	s10 =	sld [smem:$0x3FB8];
	_ =	sdelay $0x3  }
0x33: {  	p0 =	seq.s32 s10, $0x1;
	s10 =	sld [smem:$0x3FBA];
	_ =	sdelay $0x3  }
0x34: {  	[smem:$0x3FBA] =	sst s10  }
0x35: {  	s10 =	sld [smem:$0x3FB9];
	_ =	sdelay $0x3  }
0x36: {  	p1 =	seq.s32 s10, $0x1;
	s10 =	sld [smem:$0x3FBA];
	_ =	sdelay $0x3  }
0x37: {  	[smem:$0x3FBA] =	sst s10  }
0x38: {  	s10 =	sld [smem:$0x3FBB]  }
0x39: {  	_ = 	snop;
	(pc) =	sbr.ind lr, $3  }
0x3a: {  	_ = 	snop  }
0x3b: {  	_ = 	snop  }
0x3c: {  	p2 =	seq.s32 s10, $0x1;
	s10 =	sld [smem:$0x3FBA]  }
0x3d: {  	_ =	shalt  }
0x3e: {  	_ =	shalt  }
0x3f: {  	_ =	shalt  }
0x40: {  	_ =	shalt  }
0x41: {  	_ =	shalt  }
0x42: {  	_ =	shalt  }
0x43: {  	_ =	shalt  }
0x44: {  	_ =	shalt  }
0x45: {  	_ =	shalt  }
0x46: {  	_ =	shalt  }
0x47: {  	_ =	shalt  }
0x48: {  	_ =	shalt  }
0x49: {  	_ =	shalt  }
0x4a: {  	_ =	shalt  }
0x4b: {  	_ =	shalt  }
0x4c: {  	_ =	shalt  }
0x4d: {  	_ =	shalt  }
0x4e: {  	_ =	shalt  }
0x4f: {  	_ =	shalt  }
0x50: {  	_ =	shalt  }
0x51: {  	_ =	shalt  }
0x52: {  	_ =	shalt  }
0x53: {  	_ =	shalt  }
0x54: {  	_ =	shalt  }
0x55: {  	_ =	shalt  }
0x56: {  	_ =	shalt  }
0x57: {  	_ =	shalt  }
0x58: {  	_ =	shalt  }
0x59: {  	_ =	shalt  }
0x5a: {  	_ =	shalt  }
0x5b: {  	_ =	shalt  }
0x5c: {  	_ =	shalt  }
0x5d: {  	_ =	shalt  }
0x5e: {  	_ =	shalt  }
0x5f: {  	_ =	shalt  }
0x60: {  	_ =	shalt  }
0x61: {  	_ =	shalt  }
0x62: {  	_ =	shalt  }
0x63: {  	_ =	shalt  }
0x64: {  	_ =	shalt  }
0x65: {  	_ =	shalt  }
0x66: {  	_ =	shalt  }
0x67: {  	_ =	shalt  }
0x68: {  	_ =	shalt  }
0x69: {  	_ =	shalt  }
0x6a: {  	_ =	shalt  }
0x6b: {  	_ =	shalt  }
0x6c: {  	_ =	shalt  }
0x6d: {  	_ =	shalt  }
0x6e: {  	_ =	shalt  }
0x6f: {  	_ =	shalt  }
0x70: {  	_ =	shalt  }
0x71: {  	_ =	shalt  }
0x72: {  	_ =	shalt  }
0x73: {  	_ =	shalt  }
0x74: {  	_ =	shalt  }
0x75: {  	_ =	shalt  }
0x76: {  	_ =	shalt  }
0x77: {  	_ =	shalt  }
0x78: {  	_ =	shalt  }
0x79: {  	_ =	shalt  }
0x7a: {  	_ =	shalt  }
0x7b: {  	_ =	shalt  }
0x7c: {  	_ =	shalt  }
0x7d: {  	_ =	shalt  }
0x7e: {  	_ =	shalt  }
0x7f: {  	_ =	shalt  }
0x80: {  	_ =	shalt  }
0x81: {  	_ =	shalt  }
0x82: {  	_ =	shalt  }
0x83: {  	_ =	shalt  }
0x84: {  	_ =	shalt  }
0x85: {  	_ =	shalt  }
0x86: {  	_ =	shalt  }
0x87: {  	_ =	shalt  }
.Lfunc_end0:
.L_simem_size_0:
called_computation_lowered:
.L_overlay_start_0:
0x88: {  	s2 =	sld [smem:$0x3FD9]  }
0x89: {  	s3 =	sld [smem:$0x3FFE];
	_ =	sdelay $0x1  }
0x8a: {  	s1 =	srdreg.scid  }
0x8b: {  	s0 =	sand.u32 $0x1, s1  }
0x8c: {  	s18 =	sshll.u32 s0, $0xA;
	s2 =	sadd.s32 s3, s2  }
0x8d: {  	s2 =	sadd.s32 s2, s18  }
0x8e: {  	[smem:$0x3FC6] =	sst s2  }
0x8f: {  	_ = 	snop  }
0x90: {  	s2 =	sld [smem:$0x3FC9]  }
0x91: {  	s19 =	sld [smem:$0x3FC8]  }
0x92: {  	s4 =	sld [smem:$0x3FD0];
	(tm) =	ssettm $0x1  }
0x93: {  	s5 =	sld [smem:$0x3FFB];
	_ =	sdelay $0x3  }
0x94: {  	_ =	strace s5  }
0x95: {  	s5 =	sld [smem:$0x3FFC];
	_ =	sdelay $0x3  }
0x96: {  	_ =	strace s5  }
0x97: {  	s5 =	sld [smem:$0x3FFD];
	_ =	sdelay $0x3  }
0x98: {  	_ =	strace s5  }
0x99: {  	_ =	strace $0x8FFFFFFF  }
0x9a: {  	s20 =	sld [smem:$0x3FDB];
	_ =	sdelay $0x1  }
0x9b: {  	s6 =	simm.s32 $_scs_section_size  }
0x9c: {  	s7 =	simm.s32 $_size__tile_overlayer_lowered;
	s8 =	simm.s32 $_tile_overlayer_lowered  }
0x9d: {  	s23 =	simm.s32 $0x1BFF;
	s22 =	sshll.u32 s8, $0x1;
	s5 =	sadd.s32 s6, s20  }
0x9e: {  	s9 =	simm.s32 $0x0;
	s21 =	sshll.u32 s7, $0x1;
	s7 =	sadd.s32 s22, s5  }
0x9f: {  	[timem:s9], [sflag:s23] =	dma.local [hbm:s7], s21  }
0xa0: {  	_ =	swait.ge [sflag:s23], s21  }
0xa1: {  	s6 =	ssub.s32 $0x0, s21;
	[sflag:s23] =	ssyncset.done $0x0  }
0xa2: {  	[sflag:s23] =	ssyncadd.s32 s6;
	_ =	sdelay $0x1  }
0xa3: {  	s24 =	simm.s32 $0x1B8B  }
0xa4: {  	_ =	swait.ge [sflag:s24], $0x1  }
0xa5: {  	[sflag:s24] =	ssyncset.done $0x0  }
0xa6: {  	s25 =	simm.s32 $0x1B8E;
	[sflag:s24] =	ssyncadd.s32 $0xFFFFFFFF  }
0xa7: {  	s26 =	simm.s32 $execute0_lowered;
	[smem:$0x3FD2] =	sst s25  }
0xa8: {  	s6 =	sshll.u32 s26, $0x1;
	_ =	strace $0x80000046;
	[dreg:$0x1] =	wrdreg $0xFFFFFFFF  }
0xa9: {  	s28 =	simm.s32 $_size_execute0_lowered;
	s5 =	sadd.s32 s5, s6;
	[dreg:$0x0] =	wrdreg $0x0  }
0xaa: {  	s6 =	sshll.u32 s28, $0x1;
	[dreg:$0x2] =	wrdreg s5  }
0xab: {  	[dreg:$0x3] =	wrdreg s6  }
0xac: {  	[dreg:$0x4] =	wrdreg $0xC0  }
0xad: {  	_ =	task [dreg:s9], $0x5FFFF  }
0xae: {  	[dreg:$0x1] =	wrdreg $0xFFFFFFFF  }
0xaf: {  	[dreg:$0x0] =	wrdreg $0x60  }
0xb0: {  	[dreg:$0x2] =	wrdreg s2  }
0xb1: {  	[dreg:$0x3] =	wrdreg s19  }
0xb2: {  	[dreg:$0x4] =	wrdreg s4  }
0xb3: {  	[dreg:$0x5] =	wrdreg $0x9  }
0xb4: {  	_ =	task.clear_ibuf [dreg:s9], $0x6FFFF;
	_ =	strace $0x90000046  }
0xb5: {  	s29 =	simm.s32 $0x9;
	_ =	strace $0x80000048  }
0xb6: {  	_ =	swait.ge [sflag:s29], $0x1  }
0xb7: {  	[sflag:s29] =	ssyncadd.s32 $0xFFFFFFFF  }
0xb8: {  	_ =	strace $0x90000048  }
0xb9: {  	_ =	sfence  }
0xba: {  	s30 =	sld [smem:$0x0];
	_ =	sdelay $0x2  }
0xbb: {  	s31 =	sshll.u32 s1, $0xD;
	s1 =	sshrl.u32 s1, $0x2  }
0xbc: {  	s3 =	sand.u32 $0x4000, s31;
	s1 =	sadd.s32 s1, s30  }
0xbd: {  	s0 =	sor.u32 s3, s0;
	s1 =	sshll.u32 s1, $0x11  }
0xbe: {  	s0 =	sor.u32 s1, s0  }
0xbf: {  	s0 =	sadd.s32 $0x8F2B, s0  }
0xc0: {  	[sflag:s0] =	ssyncadd.remote.s32 $0x1  }
0xc1: {  	_ =	sfence.sel $0xFFFF  }
0xc2: {  	[dreg:$0x0] =	wrdreg $0xFFFFFFFF;
	(pc) =	sbr.abs _section_cstart, $3  }
0xc3: {  	[dreg:$0x1] =	wrdreg $0xFFFFFFFF  }
0xc4: {  	_ =	task.clear_ibuf [dreg:s9], $0x2FFFF;
	_ =	strace $0x9FFFFFFF  }
0xc5: {  	(tm) =	ssettm $0x7FFFFFFF  }
tec
execute0_lowered:
.L_overlay_start_1:
0x0: {  	(tag) =	ssettag $0x1  }
0x1: {  	s1 =	rddreg [dreg:$0x0]  }
0x2: {  	s5 =	rddreg [dreg:$0x1];
	s2 =	srdreg.scid  }
0x3: {  	s0 =	rddreg [dreg:$0x2];
	s9 =	stileid.u32;
	s3 =	simm.s32 $0x0  }
0x4: {  	s8 =	simm.s32 $0x1;
	s17 =	simm.s32 $0x10900;
	s18 =	simm.s32 $0x11100  }
0x5: {  	s22 =	simm.s32 $0x11900;
	s23 =	simm.s32 $0x12100;
	[smem:$0x7FF] =	sst s3  }
0x6: {  	s24 =	simm.s32 $0x12900;
	_ =	strace $0x80000047;
	[dreg:$0x4] =	wrdreg s17  }
0x7: {  	s25 =	simm.s32 $0x13100;
	s26 =	simm.s32 $0x13900;
	[dreg:$0x5] =	wrdreg s18  }
0x8: {  	s31 =	simm.s32 $0x14100;
	s28 =	simm.s32 $0x3900;
	[dreg:$0x6] =	wrdreg s22  }
0x9: {  	s29 =	simm.s32 $0x100;
	s4 =	sand.u32 $0x1, s2;
	[dreg:$0x7] =	wrdreg s23  }
0xa: {  	s10 =	sadd.s32 $0x500, s1;
	s11 =	sadd.s32 $0x600, s1;
	[dreg:$0x8] =	wrdreg s24  }
0xb: {  	s12 =	sadd.s32 $0x700, s1;
	s13 =	sadd.s32 $0x800, s1;
	[dreg:$0x9] =	wrdreg s25  }
0xc: {  	s14 =	sadd.s32 $0x900, s1;
	s2 =	sshll.u32 s4, $0x4;
	[dreg:$0xa] =	wrdreg s26  }
0xd: {  	s4 =	ssub.s32 $0x2, s4;
	[dreg:$0xb] =	wrdreg s31;
	s22 =	simm.s32 $0x14900  }
0xe: {  	s17 =	sadd.s32 $0xC00, s1;
	s23 =	simm.s32 $0x15100;
	[dreg:$0xc] =	wrdreg s22  }
0xf: {  	s18 =	sadd.s32 $0xD00, s1;
	s24 =	simm.s32 $0x15900;
	[dreg:$0xd] =	wrdreg s23  }
0x10: {  	s25 =	simm.s32 $0x16100;
	s26 =	simm.s32 $0x16900;
	[dreg:$0xe] =	wrdreg s24  }
0x11: {  	s6 =	sor.u32 s9, s2;
	s2 =	sand.u32 $0x1, s9;
	[dreg:$0xf] =	wrdreg s25  }
0x12: {  	s7 =	sshrl.u32 s4, $0x1;
	s9 =	sshll.u32 s9, $0x8;
	[dreg:$0x10] =	wrdreg s26  }
0x13: {  	s22 =	simm.s32 $0x17100;
	p0 =	seq.s32 s6, $0x0;
	p1 =	seq.s32 s2, $0x1  }
0x14: {  	s23 =	simm.s32 $0x17900;
	s6 =	sshrl.u32 s6, $0x1;
	p0 =	por !p0, !p1  }
0x15: {  	s19 =	ssub.s32 s4, s7;
	s15 =	sand.u32 $0x100, s9;
	p0 =	por !p0, !p0  }
0x16: {  	s4 =	simm.s32 $0x1;
	s7 =	sadd.s32 $0x200, s1;
	s8 =	simm.s32 @!p0 $0x0  }
0x17: {  	s9 =	sadd.s32 $0x400, s1;
	s2 =	sshll.u32 s2, $0x11;
	s20 =	ssub.s32 s6, s8  }
0x18: {  	[dreg:$0x11] =	wrdreg s22;
	s16 =	sshrl.u32 s15, $0x3;
	s30 =	sshll.u32 s20, $0x9  }
0x19: {  	[dreg:$0x12] =	wrdreg s23;
	s5 =	sadd.s32 s5, s16;
	s21 =	sor.u32 s15, s30  }
0x1a: {  	s16 =	sadd.s32 $0xB00, s1;
	[dreg:$0x13] =	wrdreg s5;
	s21 =	sshll.u32 s21, $0x9  }
0x1b: {  	s5 =	simm.s32 $0x0;
	s6 =	sadd.s32 $0x100, s1;
	s21 =	sand.u32 $0x1FFE0000, s21  }
0x1c: {  	s8 =	sadd.s32 $0x300, s1;
	s20 =	sshll.u32 s20, $0x12;
	s21 =	sadd.s32 s21, s0  }
0x1d: {  	s15 =	sadd.s32 $0xA00, s1;
	s0 =	sadd.s32 s20, s0;
	s31 =	sadd.s32 $0x1C000, s21  }
0x1e: {  	s20 =	sadd.s32 s2, s0;
	s24 =	sadd.s32 $0x1D000, s21;
	[dreg:$0x14] =	wrdreg s31  }
0x1f: {  	s25 =	sadd.s32 $0x1E000, s21;
	s26 =	sadd.s32 $0x1F000, s21;
	[dreg:$0x15] =	wrdreg s24  }
0x20: {  	v1 =	vlaneseq.u32;
	s2 =	simm.s32 $0x900;
	s21 =	simm.s32 $0x1900;
	[dreg:$0x16] =	wrdreg s25  }
0x21: {  	vm0 =	vmmov $0xffff;
	v2 =	vshrl.u32 v1, $0x3;
	[dreg:$0x17] =	wrdreg s26;
	s31 =	smax.u32 s19, $0x1;
	s25 =	sadd.s32 $0xE00, s1  }
0x22: {  	v1 =	vand.u32 $0x7, v1;
	v2 =	vmul.u32 $0x8, v2;
	v0 =	vmov s30;
	s26 =	sadd.s32 $0xF00, s1;
	s19 =	simm.s32 $0x1100;
	[dreg:$0x18] =	wrdreg s31  }
.LBB2_1:
0x23: {  	[dreg:$0x19] =	wrdreg s5  }
0x24: {  	s0 =	rddreg [dreg:$0x13];
	s24 =	simm.s32 $0x7  }
0x25: {  	[tilespmem:s3], [sflag:$0x7] =	stream.linear.gather [hbm4b:s0+s3], $0x100, $0x38;
	[tilespmem:$0x18100] =	vst v63  }
0x26: {  	_ =	swait.ge [sflag:s24], $0x100  }
0x27: {  	[sflag:s24] =	ssyncset.done $0x0  }
0x28: {  	[sflag:s24] =	ssyncadd.s32 $0xFFFFFF00  }
0x29: {  	v3 =	vld [tilespmem:$0x0]  }
0x2a: {  	v4 =	vld [tilespmem:$0x10]  }
0x2b: {  	v5 =	vld [tilespmem:$0x20]  }
0x2c: {  	v6 =	vld [tilespmem:$0x30]  }
0x2d: {  	v7 =	vld [tilespmem:$0x40]  }
0x2e: {  	v8 =	vld [tilespmem:$0x50];
	v3 =	vadd.s32 v0, v3  }
0x2f: {  	v54 =	vld [tilespmem:$0x60];
	[tilespmem:$0x0] =	vst v3;
	v3 =	vadd.s32 v0, v4  }
0x30: {  	v55 =	vld [tilespmem:$0x70];
	[tilespmem:$0x10] =	vst v3;
	v3 =	vadd.s32 v0, v5  }
0x31: {  	v56 =	vld [tilespmem:$0x80];
	[tilespmem:$0x20] =	vst v3;
	v3 =	vadd.s32 v0, v6  }
0x32: {  	v57 =	vld [tilespmem:$0x90];
	[tilespmem:$0x30] =	vst v3;
	v3 =	vadd.s32 v0, v7  }
0x33: {  	v58 =	vld [tilespmem:$0xA0];
	[tilespmem:$0x40] =	vst v3;
	v3 =	vadd.s32 v0, v8  }
0x34: {  	v59 =	vld [tilespmem:$0xB0];
	[tilespmem:$0x50] =	vst v3;
	v3 =	vadd.s32 v0, v54  }
0x35: {  	v60 =	vld [tilespmem:$0xC0];
	[tilespmem:$0x60] =	vst v3;
	v3 =	vadd.s32 v0, v55  }
0x36: {  	v61 =	vld [tilespmem:$0xD0];
	[tilespmem:$0x70] =	vst v3;
	v3 =	vadd.s32 v0, v56  }
0x37: {  	v62 =	vld [tilespmem:$0xE0];
	[tilespmem:$0x80] =	vst v3;
	v3 =	vadd.s32 v0, v57  }
0x38: {  	v63 =	vld [tilespmem:$0xF0];
	[tilespmem:$0x90] =	vst v3;
	v3 =	vadd.s32 v0, v58  }
0x39: {  	[tilespmem:$0xA0] =	vst v3;
	v3 =	vadd.s32 v0, v59  }
0x3a: {  	[tilespmem:$0xB0] =	vst v3;
	v3 =	vadd.s32 v0, v60  }
0x3b: {  	[tilespmem:$0xC0] =	vst v3;
	v3 =	vadd.s32 v0, v61  }
0x3c: {  	[tilespmem:$0xD0] =	vst v3;
	v3 =	vadd.s32 v0, v62  }
0x3d: {  	s30 =	simm.s32 $0x10;
	s23 =	simm.s32 $0x2900;
	s5 =	simm.s32 $0x8100;
	[tilespmem:$0xE0] =	vst v3;
	v3 =	vadd.s32 v0, v63  }
0x3e: {  	s22 =	simm.s32 $0x2100;
	s31 =	simm.s32 $0x0;
	s24 =	simm.s32 $0x3100;
	[tilespmem:$0xF0] =	vst v3  }
.LBB2_2:
0x3f: {  	p0 =	seq.s32 s31, $0x0  }
0x40: {  	s0 =	simm.s32 @!p0 $0x4  }
0x41: {  	_ =	swait.ge @!p0 [sflag:s0], $0x8000  }
0x42: {  	[sflag:s0] =	ssyncset.done @!p0 $0x0  }
0x43: {  	[sflag:s0] =	ssyncadd.s32 @!p0 $0xFFFF8000  }
0x44: {  	v3 =	vld.msk [tilespmem:s30+$0xFFFFFFF0], $0xff;
	_ =	sdelay $0x4  }
0x45: {  	v4 =	vshll.u32 v3, $0x5  }
0x46: {  	v3 =	vand.u32 $0x7, v3;
	v4 =	vand.u32 $0xFFFFFF00, v4  }
0x47: {  	v3 =	vor.u32 v3, v4  }
0x48: {  	v3 =	vperm.xlane v3, v1;
	_ =	sdelay $0x1  }
0x49: {  	v3 =	vadd.s32 v2, v3;
	_ =	sdelay $0x4  }
0x4a: {  	[tilespmem:s29], [sflag:$0x1] =	stream.indirect_vreg.gather [hbm4b:s1+s3], $0x80, v3, vm0, $0xb8;
	[tilespmem:$0x18100] =	vst v63  }
0x4b: {  	_ = 	snop  }
0x4c: {  	[tilespmem:s2], [sflag:$0x1] =	stream.indirect_vreg.gather [hbm4b:s6+s3], $0x80, v3, vm0, $0xb8;
	[tilespmem:$0x18100] =	vst v63  }
0x4d: {  	_ = 	snop  }
0x4e: {  	[tilespmem:s19], [sflag:$0x1] =	stream.indirect_vreg.gather [hbm4b:s7+s3], $0x80, v3, vm0, $0xb8;
	[tilespmem:$0x18100] =	vst v63  }
0x4f: {  	_ = 	snop  }
0x50: {  	[tilespmem:s21], [sflag:$0x1] =	stream.indirect_vreg.gather [hbm4b:s8+s3], $0x80, v3, vm0, $0xb8;
	[tilespmem:$0x18100] =	vst v63  }
0x51: {  	_ = 	snop  }
0x52: {  	[tilespmem:s22], [sflag:$0x1] =	stream.indirect_vreg.gather [hbm4b:s9+s3], $0x80, v3, vm0, $0xb8;
	[tilespmem:$0x18100] =	vst v63  }
0x53: {  	_ = 	snop  }
0x54: {  	[tilespmem:s23], [sflag:$0x1] =	stream.indirect_vreg.gather [hbm4b:s10+s3], $0x80, v3, vm0, $0xb8;
	[tilespmem:$0x18100] =	vst v63  }
0x55: {  	_ = 	snop  }
0x56: {  	[tilespmem:s24], [sflag:$0x1] =	stream.indirect_vreg.gather [hbm4b:s11+s3], $0x80, v3, vm0, $0xb8;
	[tilespmem:$0x18100] =	vst v63  }
0x57: {  	_ = 	snop  }
0x58: {  	[tilespmem:s28], [sflag:$0x1] =	stream.indirect_vreg.gather [hbm4b:s12+s3], $0x80, v3, vm0, $0xb8;
	[tilespmem:$0x18100] =	vst v63  }
0x59: {  	s19 =	simm.s32 $0x4100  }
0x5a: {  	[tilespmem:s19], [sflag:$0x1] =	stream.indirect_vreg.gather [hbm4b:s13+s3], $0x80, v3, vm0, $0xb8;
	[tilespmem:$0x18100] =	vst v63  }
0x5b: {  	s21 =	simm.s32 $0x4900  }
0x5c: {  	[tilespmem:s21], [sflag:$0x1] =	stream.indirect_vreg.gather [hbm4b:s14+s3], $0x80, v3, vm0, $0xb8;
	[tilespmem:$0x18100] =	vst v63  }
0x5d: {  	s2 =	simm.s32 $0x5100  }
0x5e: {  	[tilespmem:s2], [sflag:$0x1] =	stream.indirect_vreg.gather [hbm4b:s15+s3], $0x80, v3, vm0, $0xb8;
	[tilespmem:$0x18100] =	vst v63  }
0x5f: {  	s19 =	simm.s32 $0x5900  }
0x60: {  	[tilespmem:s19], [sflag:$0x1] =	stream.indirect_vreg.gather [hbm4b:s16+s3], $0x80, v3, vm0, $0xb8;
	[tilespmem:$0x18100] =	vst v63  }
0x61: {  	s21 =	simm.s32 $0x6100  }
0x62: {  	[tilespmem:s21], [sflag:$0x1] =	stream.indirect_vreg.gather [hbm4b:s17+s3], $0x80, v3, vm0, $0xb8;
	[tilespmem:$0x18100] =	vst v63  }
0x63: {  	s2 =	simm.s32 $0x6900  }
0x64: {  	[tilespmem:s2], [sflag:$0x1] =	stream.indirect_vreg.gather [hbm4b:s18+s3], $0x80, v3, vm0, $0xb8;
	[tilespmem:$0x18100] =	vst v63  }
0x65: {  	s19 =	simm.s32 $0x7100  }
0x66: {  	[tilespmem:s19], [sflag:$0x1] =	stream.indirect_vreg.gather [hbm4b:s25+s3], $0x80, v3, vm0, $0xb8;
	[tilespmem:$0x18100] =	vst v63  }
0x67: {  	s0 =	simm.s32 @!p0 $0x2;
	s21 =	simm.s32 $0x7900  }
0x68: {  	[tilespmem:s21], [sflag:$0x1] =	stream.indirect_vreg.gather [hbm4b:s26+s3], $0x80, v3, vm0, $0xb8;
	[tilespmem:$0x18100] =	vst v63  }
0x69: {  	_ =	swait.ge @!p0 [sflag:s0], $0x8000  }
0x6a: {  	[sflag:s0] =	ssyncset.done @!p0 $0x0  }
0x6b: {  	[sflag:s0] =	ssyncadd.s32 @!p0 $0xFFFF8000;
	s0 =	sadd.s32 @!p0 s31, s20  }
0x6c: {  	s19 =	simm.s32 @!p0 $0x0;
	s21 =	simm.s32 @!p0 $0x8100;
	s2 =	sadd.s32 @!p0 $0xFFFFE000, s0  }
0x6d: {  	[hbm4b:s2+s19] =	stream.linear.scatter @!p0 [tilespmem:s21], [sflag:$0x5], $0x8000, $0x38;
	[tilespmem:$0x18100] =	vst v63  }
0x6e: {  	s2 =	simm.s32 @!p0 $0x5  }
0x6f: {  	_ =	swait.ge @!p0 [sflag:s2], $0x8000  }
0x70: {  	[sflag:s2] =	ssyncset.done @!p0 $0x0  }
0x71: {  	[sflag:s2] =	ssyncadd.s32 @!p0 $0xFFFF8000  }
0x72: {  	v3 =	vld.msk [tilespmem:s30+$0xFFFFFFF8], $0xff;
	_ =	sdelay $0x4  }
0x73: {  	v62 =	vshll.u32 v3, $0x5  }
0x74: {  	v3 =	vand.u32 $0x7, v3;
	v4 =	vand.u32 $0xFFFFFF00, v62  }
0x75: {  	v3 =	vor.u32 v3, v4  }
0x76: {  	v3 =	vperm.xlane v3, v1;
	_ =	sdelay $0x1  }
0x77: {  	v3 =	vadd.s32 v2, v3;
	_ =	sdelay $0x4  }
0x78: {  	[tilespmem:s5], [sflag:$0x2] =	stream.indirect_vreg.gather [hbm4b:s1+s3], $0x80, v3, vm0, $0xb8;
	[tilespmem:$0x18100] =	vst v63  }
0x79: {  	s2 =	simm.s32 $0x8900  }
0x7a: {  	[tilespmem:s2], [sflag:$0x2] =	stream.indirect_vreg.gather [hbm4b:s6+s3], $0x80, v3, vm0, $0xb8;
	[tilespmem:$0x18100] =	vst v63  }
0x7b: {  	s2 =	simm.s32 $0x9100  }
0x7c: {  	[tilespmem:s2], [sflag:$0x2] =	stream.indirect_vreg.gather [hbm4b:s7+s3], $0x80, v3, vm0, $0xb8;
	[tilespmem:$0x18100] =	vst v63  }
0x7d: {  	s2 =	simm.s32 $0x9900  }
0x7e: {  	[tilespmem:s2], [sflag:$0x2] =	stream.indirect_vreg.gather [hbm4b:s8+s3], $0x80, v3, vm0, $0xb8;
	[tilespmem:$0x18100] =	vst v63  }
0x7f: {  	s2 =	simm.s32 $0xA100  }
0x80: {  	[tilespmem:s2], [sflag:$0x2] =	stream.indirect_vreg.gather [hbm4b:s9+s3], $0x80, v3, vm0, $0xb8;
	[tilespmem:$0x18100] =	vst v63  }
0x81: {  	s2 =	simm.s32 $0xA900  }
0x82: {  	[tilespmem:s2], [sflag:$0x2] =	stream.indirect_vreg.gather [hbm4b:s10+s3], $0x80, v3, vm0, $0xb8;
	[tilespmem:$0x18100] =	vst v63  }
0x83: {  	s2 =	simm.s32 $0xB100  }
0x84: {  	[tilespmem:s2], [sflag:$0x2] =	stream.indirect_vreg.gather [hbm4b:s11+s3], $0x80, v3, vm0, $0xb8;
	[tilespmem:$0x18100] =	vst v63  }
0x85: {  	s2 =	simm.s32 $0xB900  }
0x86: {  	[tilespmem:s2], [sflag:$0x2] =	stream.indirect_vreg.gather [hbm4b:s12+s3], $0x80, v3, vm0, $0xb8;
	[tilespmem:$0x18100] =	vst v63  }
0x87: {  	s2 =	simm.s32 $0xC100  }
0x88: {  	[tilespmem:s2], [sflag:$0x2] =	stream.indirect_vreg.gather [hbm4b:s13+s3], $0x80, v3, vm0, $0xb8;
	[tilespmem:$0x18100] =	vst v63  }
0x89: {  	s2 =	simm.s32 $0xC900  }
0x8a: {  	[tilespmem:s2], [sflag:$0x2] =	stream.indirect_vreg.gather [hbm4b:s14+s3], $0x80, v3, vm0, $0xb8;
	[tilespmem:$0x18100] =	vst v63  }
0x8b: {  	s2 =	simm.s32 $0xD100  }
0x8c: {  	[tilespmem:s2], [sflag:$0x2] =	stream.indirect_vreg.gather [hbm4b:s15+s3], $0x80, v3, vm0, $0xb8;
	[tilespmem:$0x18100] =	vst v63  }
0x8d: {  	s2 =	simm.s32 $0xD900  }
0x8e: {  	[tilespmem:s2], [sflag:$0x2] =	stream.indirect_vreg.gather [hbm4b:s16+s3], $0x80, v3, vm0, $0xb8;
	[tilespmem:$0x18100] =	vst v63  }
0x8f: {  	s2 =	simm.s32 $0xE100  }
0x90: {  	[tilespmem:s2], [sflag:$0x2] =	stream.indirect_vreg.gather [hbm4b:s17+s3], $0x80, v3, vm0, $0xb8;
	[tilespmem:$0x18100] =	vst v63  }
0x91: {  	s2 =	simm.s32 $0xE900  }
0x92: {  	[tilespmem:s2], [sflag:$0x2] =	stream.indirect_vreg.gather [hbm4b:s18+s3], $0x80, v3, vm0, $0xb8;
	[tilespmem:$0x18100] =	vst v63  }
0x93: {  	s2 =	simm.s32 $0xF100  }
0x94: {  	[tilespmem:s2], [sflag:$0x2] =	stream.indirect_vreg.gather [hbm4b:s25+s3], $0x80, v3, vm0, $0xb8;
	[tilespmem:$0x18100] =	vst v63  }
0x95: {  	s2 =	simm.s32 $0xF900  }
0x96: {  	[tilespmem:s2], [sflag:$0x2] =	stream.indirect_vreg.gather [hbm4b:s26+s3], $0x80, v3, vm0, $0xb8;
	[tilespmem:$0x18100] =	vst v63  }
0x97: {  	s2 =	simm.s32 @!p0 $0x3  }
0x98: {  	_ =	swait.ge @!p0 [sflag:s2], $0x8000  }
0x99: {  	[sflag:s2] =	ssyncset.done @!p0 $0x0  }
0x9a: {  	s0 =	sadd.s32 @!p0 $0xFFFFF000, s0;
	[sflag:s2] =	ssyncadd.s32 @!p0 $0xFFFF8000;
	s2 =	simm.s32 @!p0 $0x10100  }
0x9b: {  	[hbm4b:s0+s19] =	stream.linear.scatter @!p0 [tilespmem:s2], [sflag:$0x6], $0x8000, $0x38;
	[tilespmem:$0x18100] =	vst v63  }
0x9c: {  	s0 =	simm.s32 @!p0 $0x6  }
0x9d: {  	_ =	swait.ge @!p0 [sflag:s0], $0x8000  }
0x9e: {  	[sflag:s0] =	ssyncset.done @!p0 $0x0  }
0x9f: {  	[sflag:s0] =	ssyncadd.s32 @!p0 $0xFFFF8000  }
0xa0: {  	v3 =	vld.msk [tilespmem:s30+$0x0], $0xff;
	_ =	sdelay $0x4  }
0xa1: {  	v63 =	vshll.u32 v3, $0x5  }
0xa2: {  	v3 =	vand.u32 $0x7, v3;
	v4 =	vand.u32 $0xFFFFFF00, v63  }
0xa3: {  	v3 =	vor.u32 v3, v4  }
0xa4: {  	v3 =	vperm.xlane v3, v1;
	_ =	sdelay $0x1  }
0xa5: {  	v3 =	vadd.s32 v2, v3;
	_ =	sdelay $0x3  }
0xa6: {  	s2 =	simm.s32 $0x10100  }
0xa7: {  	[tilespmem:s2], [sflag:$0x3] =	stream.indirect_vreg.gather [hbm4b:s1+s3], $0x80, v3, vm0, $0xb8;
	[tilespmem:$0x18100] =	vst v63  }
0xa8: {  	s0 =	rddreg [dreg:$0x4]  }
0xa9: {  	[tilespmem:s0], [sflag:$0x3] =	stream.indirect_vreg.gather [hbm4b:s6+s3], $0x80, v3, vm0, $0xb8;
	[tilespmem:$0x18100] =	vst v63  }
0xaa: {  	s2 =	rddreg [dreg:$0x5]  }
0xab: {  	[tilespmem:s2], [sflag:$0x3] =	stream.indirect_vreg.gather [hbm4b:s7+s3], $0x80, v3, vm0, $0xb8;
	[tilespmem:$0x18100] =	vst v63  }
0xac: {  	s0 =	rddreg [dreg:$0x6]  }
0xad: {  	[tilespmem:s0], [sflag:$0x3] =	stream.indirect_vreg.gather [hbm4b:s8+s3], $0x80, v3, vm0, $0xb8;
	[tilespmem:$0x18100] =	vst v63  }
0xae: {  	s2 =	rddreg [dreg:$0x7]  }
0xaf: {  	[tilespmem:s2], [sflag:$0x3] =	stream.indirect_vreg.gather [hbm4b:s9+s3], $0x80, v3, vm0, $0xb8;
	[tilespmem:$0x18100] =	vst v63  }
0xb0: {  	s0 =	rddreg [dreg:$0x8]  }
0xb1: {  	[tilespmem:s0], [sflag:$0x3] =	stream.indirect_vreg.gather [hbm4b:s10+s3], $0x80, v3, vm0, $0xb8;
	[tilespmem:$0x18100] =	vst v63  }
0xb2: {  	s2 =	rddreg [dreg:$0x9]  }
0xb3: {  	[tilespmem:s2], [sflag:$0x3] =	stream.indirect_vreg.gather [hbm4b:s11+s3], $0x80, v3, vm0, $0xb8;
	[tilespmem:$0x18100] =	vst v63  }
0xb4: {  	s0 =	rddreg [dreg:$0xa]  }
0xb5: {  	[tilespmem:s0], [sflag:$0x3] =	stream.indirect_vreg.gather [hbm4b:s12+s3], $0x80, v3, vm0, $0xb8;
	[tilespmem:$0x18100] =	vst v63  }
0xb6: {  	s2 =	rddreg [dreg:$0xb]  }
0xb7: {  	[tilespmem:s2], [sflag:$0x3] =	stream.indirect_vreg.gather [hbm4b:s13+s3], $0x80, v3, vm0, $0xb8;
	[tilespmem:$0x18100] =	vst v63  }
0xb8: {  	s0 =	rddreg [dreg:$0xc]  }
0xb9: {  	[tilespmem:s0], [sflag:$0x3] =	stream.indirect_vreg.gather [hbm4b:s14+s3], $0x80, v3, vm0, $0xb8;
	[tilespmem:$0x18100] =	vst v63  }
0xba: {  	s2 =	rddreg [dreg:$0xd]  }
0xbb: {  	[tilespmem:s2], [sflag:$0x3] =	stream.indirect_vreg.gather [hbm4b:s15+s3], $0x80, v3, vm0, $0xb8;
	[tilespmem:$0x18100] =	vst v63  }
0xbc: {  	s0 =	rddreg [dreg:$0xe]  }
0xbd: {  	[tilespmem:s0], [sflag:$0x3] =	stream.indirect_vreg.gather [hbm4b:s16+s3], $0x80, v3, vm0, $0xb8;
	[tilespmem:$0x18100] =	vst v63  }
0xbe: {  	s2 =	rddreg [dreg:$0xf]  }
0xbf: {  	[tilespmem:s2], [sflag:$0x3] =	stream.indirect_vreg.gather [hbm4b:s17+s3], $0x80, v3, vm0, $0xb8;
	[tilespmem:$0x18100] =	vst v63  }
0xc0: {  	s0 =	rddreg [dreg:$0x10]  }
0xc1: {  	[tilespmem:s0], [sflag:$0x3] =	stream.indirect_vreg.gather [hbm4b:s18+s3], $0x80, v3, vm0, $0xb8;
	[tilespmem:$0x18100] =	vst v63  }
0xc2: {  	s2 =	rddreg [dreg:$0x11]  }
0xc3: {  	[tilespmem:s2], [sflag:$0x3] =	stream.indirect_vreg.gather [hbm4b:s25+s3], $0x80, v3, vm0, $0xb8;
	[tilespmem:$0x18100] =	vst v63  }
0xc4: {  	s0 =	rddreg [dreg:$0x12]  }
0xc5: {  	[tilespmem:s0], [sflag:$0x3] =	stream.indirect_vreg.gather [hbm4b:s26+s3], $0x80, v3, vm0, $0xb8;
	[tilespmem:$0x18100] =	vst v63  }
0xc6: {  	s0 =	sadd.s32 s31, s20;
	s31 =	sadd.s32 $0x3000, s31  }
0xc7: {  	p0 =	sne.s32 s31, $0x1E000  }
.Ltmp0:
0xc8: {  	_ = 	snop;
	(pc) =	sbr.rel @p0 .LBB2_2-.Ltmp0, $4  }
0xc9: {  	_ =	swait.ge [sflag:s4], $0x8000  }
0xca: {  	s21 =	simm.s32 $0x1900;
	s19 =	simm.s32 $0x1100;
	[sflag:s4] =	ssyncset.done $0x0  }
0xcb: {  	s30 =	sadd.s32 $0x18, s30;
	s2 =	simm.s32 $0x900;
	[sflag:s4] =	ssyncadd.s32 $0xFFFF8000  }
0xcc: {  	[hbm4b:s0+s3] =	stream.linear.scatter [tilespmem:s29], [sflag:$0x4], $0x8000, $0x38;
	[tilespmem:$0x18100] =	vst v63  }
0xcd: {  	s30 =	simm.s32 $0x4  }
0xce: {  	_ =	swait.ge [sflag:s30], $0x8000  }
0xcf: {  	[sflag:s30] =	ssyncset.done $0x0  }
0xd0: {  	[sflag:s30] =	ssyncadd.s32 $0xFFFF8000  }
0xd1: {  	v3 =	vld.msk [tilespmem:$0xF0], $0xff;
	_ =	sdelay $0x4  }
0xd2: {  	v4 =	vshll.u32 v3, $0x5  }
0xd3: {  	v3 =	vand.u32 $0x7, v3;
	v4 =	vand.u32 $0xFFFFFF00, v4  }
0xd4: {  	v3 =	vor.u32 v3, v4  }
0xd5: {  	v3 =	vperm.xlane v3, v1;
	_ =	sdelay $0x1  }
0xd6: {  	v3 =	vadd.s32 v2, v3;
	_ =	sdelay $0x4  }
0xd7: {  	[tilespmem:s29], [sflag:$0x1] =	stream.indirect_vreg.gather [hbm4b:s1+s3], $0x80, v3, vm0, $0xb8;
	[tilespmem:$0x18100] =	vst v63  }
0xd8: {  	_ = 	snop  }
0xd9: {  	[tilespmem:s2], [sflag:$0x1] =	stream.indirect_vreg.gather [hbm4b:s6+s3], $0x80, v3, vm0, $0xb8;
	[tilespmem:$0x18100] =	vst v63  }
0xda: {  	_ = 	snop  }
0xdb: {  	[tilespmem:s19], [sflag:$0x1] =	stream.indirect_vreg.gather [hbm4b:s7+s3], $0x80, v3, vm0, $0xb8;
	[tilespmem:$0x18100] =	vst v63  }
0xdc: {  	_ = 	snop  }
0xdd: {  	[tilespmem:s21], [sflag:$0x1] =	stream.indirect_vreg.gather [hbm4b:s8+s3], $0x80, v3, vm0, $0xb8;
	[tilespmem:$0x18100] =	vst v63  }
0xde: {  	_ = 	snop  }
0xdf: {  	[tilespmem:s22], [sflag:$0x1] =	stream.indirect_vreg.gather [hbm4b:s9+s3], $0x80, v3, vm0, $0xb8;
	[tilespmem:$0x18100] =	vst v63  }
0xe0: {  	_ = 	snop  }
0xe1: {  	[tilespmem:s23], [sflag:$0x1] =	stream.indirect_vreg.gather [hbm4b:s10+s3], $0x80, v3, vm0, $0xb8;
	[tilespmem:$0x18100] =	vst v63  }
0xe2: {  	_ = 	snop  }
0xe3: {  	[tilespmem:s24], [sflag:$0x1] =	stream.indirect_vreg.gather [hbm4b:s11+s3], $0x80, v3, vm0, $0xb8;
	[tilespmem:$0x18100] =	vst v63  }
0xe4: {  	_ = 	snop  }
0xe5: {  	[tilespmem:s28], [sflag:$0x1] =	stream.indirect_vreg.gather [hbm4b:s12+s3], $0x80, v3, vm0, $0xb8;
	[tilespmem:$0x18100] =	vst v63  }
0xe6: {  	s0 =	simm.s32 $0x4100  }
0xe7: {  	[tilespmem:s0], [sflag:$0x1] =	stream.indirect_vreg.gather [hbm4b:s13+s3], $0x80, v3, vm0, $0xb8;
	[tilespmem:$0x18100] =	vst v63  }
0xe8: {  	s31 =	simm.s32 $0x4900  }
0xe9: {  	[tilespmem:s31], [sflag:$0x1] =	stream.indirect_vreg.gather [hbm4b:s14+s3], $0x80, v3, vm0, $0xb8;
	[tilespmem:$0x18100] =	vst v63  }
0xea: {  	s5 =	simm.s32 $0x5100  }
0xeb: {  	[tilespmem:s5], [sflag:$0x1] =	stream.indirect_vreg.gather [hbm4b:s15+s3], $0x80, v3, vm0, $0xb8;
	[tilespmem:$0x18100] =	vst v63  }
0xec: {  	s22 =	simm.s32 $0x5900  }
0xed: {  	[tilespmem:s22], [sflag:$0x1] =	stream.indirect_vreg.gather [hbm4b:s16+s3], $0x80, v3, vm0, $0xb8;
	[tilespmem:$0x18100] =	vst v63  }
0xee: {  	s23 =	simm.s32 $0x6100  }
0xef: {  	[tilespmem:s23], [sflag:$0x1] =	stream.indirect_vreg.gather [hbm4b:s17+s3], $0x80, v3, vm0, $0xb8;
	[tilespmem:$0x18100] =	vst v63  }
0xf0: {  	s24 =	simm.s32 $0x6900  }
0xf1: {  	[tilespmem:s24], [sflag:$0x1] =	stream.indirect_vreg.gather [hbm4b:s18+s3], $0x80, v3, vm0, $0xb8;
	[tilespmem:$0x18100] =	vst v63  }
0xf2: {  	s31 =	simm.s32 $0x7100  }
0xf3: {  	[tilespmem:s31], [sflag:$0x1] =	stream.indirect_vreg.gather [hbm4b:s25+s3], $0x80, v3, vm0, $0xb8;
	[tilespmem:$0x18100] =	vst v63  }
0xf4: {  	s5 =	simm.s32 $0x7900  }
0xf5: {  	[tilespmem:s5], [sflag:$0x1] =	stream.indirect_vreg.gather [hbm4b:s26+s3], $0x80, v3, vm0, $0xb8;
	[tilespmem:$0x18100] =	vst v63  }
0xf6: {  	s5 =	simm.s32 $0x2  }
0xf7: {  	_ =	swait.ge [sflag:s5], $0x8000  }
0xf8: {  	[sflag:s5] =	ssyncset.done $0x0  }
0xf9: {  	s23 =	simm.s32 $0x8100;
	s22 =	rddreg [dreg:$0x14];
	[sflag:s5] =	ssyncadd.s32 $0xFFFF8000  }
0xfa: {  	[hbm4b:s22+s3] =	stream.linear.scatter [tilespmem:s23], [sflag:$0x5], $0x8000, $0x38;
	[tilespmem:$0x18100] =	vst v63  }
0xfb: {  	s22 =	simm.s32 $0x5  }
0xfc: {  	_ =	swait.ge [sflag:s22], $0x8000  }
0xfd: {  	[sflag:s22] =	ssyncset.done $0x0  }
0xfe: {  	[sflag:s22] =	ssyncadd.s32 $0xFFFF8000  }
0xff: {  	v3 =	vld.msk [tilespmem:$0xF8], $0xff;
	_ =	sdelay $0x4  }
0x100: {  	v63 =	vshll.u32 v3, $0x5  }
0x101: {  	v3 =	vand.u32 $0x7, v3;
	v4 =	vand.u32 $0xFFFFFF00, v63  }
0x102: {  	v3 =	vor.u32 v3, v4  }
0x103: {  	v3 =	vperm.xlane v3, v1;
	_ =	sdelay $0x1  }
0x104: {  	v3 =	vadd.s32 v2, v3;
	_ =	sdelay $0x4  }
0x105: {  	[tilespmem:s23], [sflag:$0x2] =	stream.indirect_vreg.gather [hbm4b:s1+s3], $0x80, v3, vm0, $0xb8;
	[tilespmem:$0x18100] =	vst v63  }
0x106: {  	s24 =	simm.s32 $0x8900  }
0x107: {  	[tilespmem:s24], [sflag:$0x2] =	stream.indirect_vreg.gather [hbm4b:s6+s3], $0x80, v3, vm0, $0xb8;
	[tilespmem:$0x18100] =	vst v63  }
0x108: {  	s31 =	simm.s32 $0x9100  }
0x109: {  	[tilespmem:s31], [sflag:$0x2] =	stream.indirect_vreg.gather [hbm4b:s7+s3], $0x80, v3, vm0, $0xb8;
	[tilespmem:$0x18100] =	vst v63  }
0x10a: {  	s24 =	simm.s32 $0x9900  }
0x10b: {  	[tilespmem:s24], [sflag:$0x2] =	stream.indirect_vreg.gather [hbm4b:s8+s3], $0x80, v3, vm0, $0xb8;
	[tilespmem:$0x18100] =	vst v63  }
0x10c: {  	s31 =	simm.s32 $0xA100  }
0x10d: {  	[tilespmem:s31], [sflag:$0x2] =	stream.indirect_vreg.gather [hbm4b:s9+s3], $0x80, v3, vm0, $0xb8;
	[tilespmem:$0x18100] =	vst v63  }
0x10e: {  	s24 =	simm.s32 $0xA900  }
0x10f: {  	[tilespmem:s24], [sflag:$0x2] =	stream.indirect_vreg.gather [hbm4b:s10+s3], $0x80, v3, vm0, $0xb8;
	[tilespmem:$0x18100] =	vst v63  }
0x110: {  	s31 =	simm.s32 $0xB100  }
0x111: {  	[tilespmem:s31], [sflag:$0x2] =	stream.indirect_vreg.gather [hbm4b:s11+s3], $0x80, v3, vm0, $0xb8;
	[tilespmem:$0x18100] =	vst v63  }
0x112: {  	s24 =	simm.s32 $0xB900  }
0x113: {  	[tilespmem:s24], [sflag:$0x2] =	stream.indirect_vreg.gather [hbm4b:s12+s3], $0x80, v3, vm0, $0xb8;
	[tilespmem:$0x18100] =	vst v63  }
0x114: {  	s31 =	simm.s32 $0xC100  }
0x115: {  	[tilespmem:s31], [sflag:$0x2] =	stream.indirect_vreg.gather [hbm4b:s13+s3], $0x80, v3, vm0, $0xb8;
	[tilespmem:$0x18100] =	vst v63  }
0x116: {  	s24 =	simm.s32 $0xC900  }
0x117: {  	[tilespmem:s24], [sflag:$0x2] =	stream.indirect_vreg.gather [hbm4b:s14+s3], $0x80, v3, vm0, $0xb8;
	[tilespmem:$0x18100] =	vst v63  }
0x118: {  	s31 =	simm.s32 $0xD100  }
0x119: {  	[tilespmem:s31], [sflag:$0x2] =	stream.indirect_vreg.gather [hbm4b:s15+s3], $0x80, v3, vm0, $0xb8;
	[tilespmem:$0x18100] =	vst v63  }
0x11a: {  	s24 =	simm.s32 $0xD900  }
0x11b: {  	[tilespmem:s24], [sflag:$0x2] =	stream.indirect_vreg.gather [hbm4b:s16+s3], $0x80, v3, vm0, $0xb8;
	[tilespmem:$0x18100] =	vst v63  }
0x11c: {  	s31 =	simm.s32 $0xE100  }
0x11d: {  	[tilespmem:s31], [sflag:$0x2] =	stream.indirect_vreg.gather [hbm4b:s17+s3], $0x80, v3, vm0, $0xb8;
	[tilespmem:$0x18100] =	vst v63  }
0x11e: {  	s24 =	simm.s32 $0xE900  }
0x11f: {  	[tilespmem:s24], [sflag:$0x2] =	stream.indirect_vreg.gather [hbm4b:s18+s3], $0x80, v3, vm0, $0xb8;
	[tilespmem:$0x18100] =	vst v63  }
0x120: {  	s31 =	simm.s32 $0xF100  }
0x121: {  	[tilespmem:s31], [sflag:$0x2] =	stream.indirect_vreg.gather [hbm4b:s25+s3], $0x80, v3, vm0, $0xb8;
	[tilespmem:$0x18100] =	vst v63  }
0x122: {  	s24 =	simm.s32 $0xF900;
	s31 =	simm.s32 $0x3  }
0x123: {  	[tilespmem:s24], [sflag:$0x2] =	stream.indirect_vreg.gather [hbm4b:s26+s3], $0x80, v3, vm0, $0xb8;
	[tilespmem:$0x18100] =	vst v63  }
0x124: {  	_ =	swait.ge [sflag:s31], $0x8000  }
0x125: {  	[sflag:s31] =	ssyncset.done $0x0  }
0x126: {  	s24 =	rddreg [dreg:$0x15];
	[sflag:s31] =	ssyncadd.s32 $0xFFFF8000;
	s31 =	simm.s32 $0x10100  }
0x127: {  	[hbm4b:s24+s3] =	stream.linear.scatter [tilespmem:s31], [sflag:$0x6], $0x8000, $0x38;
	[tilespmem:$0x18100] =	vst v63  }
0x128: {  	_ =	swait.ge [sflag:s4], $0x8000  }
0x129: {  	[sflag:s4] =	ssyncset.done $0x0  }
0x12a: {  	s31 =	rddreg [dreg:$0x16];
	[sflag:s4] =	ssyncadd.s32 $0xFFFF8000  }
0x12b: {  	[hbm4b:s31+s3] =	stream.linear.scatter [tilespmem:s29], [sflag:$0x4], $0x8000, $0x38;
	[tilespmem:$0x18100] =	vst v63  }
0x12c: {  	_ =	swait.ge [sflag:s5], $0x8000  }
0x12d: {  	[sflag:s5] =	ssyncset.done $0x0  }
0x12e: {  	s24 =	simm.s32 $0x6;
	[sflag:s5] =	ssyncadd.s32 $0xFFFF8000;
	s5 =	rddreg [dreg:$0x17]  }
0x12f: {  	[hbm4b:s5+s3] =	stream.linear.scatter [tilespmem:s23], [sflag:$0x5], $0x8000, $0x38;
	[tilespmem:$0x18100] =	vst v63  }
0x130: {  	_ =	swait.ge [sflag:s24], $0x8000  }
0x131: {  	[sflag:s24] =	ssyncset.done $0x0  }
0x132: {  	[sflag:s24] =	ssyncadd.s32 $0xFFFF8000  }
0x133: {  	_ =	swait.ge [sflag:s30], $0x8000  }
0x134: {  	[sflag:s30] =	ssyncset.done $0x0  }
0x135: {  	[sflag:s30] =	ssyncadd.s32 $0xFFFF8000  }
0x136: {  	_ =	swait.ge [sflag:s22], $0x8000  }
0x137: {  	s30 =	rddreg [dreg:$0x19]  }
0x138: {  	s31 =	rddreg [dreg:$0x18];
	s5 =	sadd.s32 $0x1, s30  }
0x139: {  	p0 =	sne.s32 s5, s31  }
.Ltmp1:
0x13a: {  	_ = 	snop;
	(pc) =	sbr.rel @p0 .LBB2_1-.Ltmp1, $3  }
0x13b: {  	_ =	sdelay $0x1  }
0x13c: {  	[sflag:s22] =	ssyncset.done $0x0  }
0x13d: {  	[sflag:s22] =	ssyncadd.s32 $0xFFFF8000  }
0x13e: {  	_ =	sfence.sel $0x180000  }
0x13f: {  	[bflag:$0x0] =	sbarrier.arrive $0xFFFF  }
0x140: {  	_ =	strace $0x90000047  }
0x141: {  	s0 =	stileid.u32;
	[bflag:$0x2] =	sbarrier.arrive $0xFFFF  }
0x142: {  	p0 =	sne.s32 s0, $0x0;
	s0 =	rddreg [dreg:$0x3]  }
0x143: {  	s0 =	sadd.s32 @!p0 $0x100000, s0  }
0x144: {  	[sflag:s0] =	ssyncadd.tile.s32 @!p0 $0x1;
	_ =	shalt  }
.Lfunc_end2:
_tile_overlayer_lowered:
.L_overlay_start_2:
0x145: {  	(tag) =	ssettag $0x2  }
0x146: {  	s0 =	rddreg [dreg:$0x0];
	s2 =	stileid.u32  }
0x147: {  	s1 =	rddreg [dreg:$0x1];
	p0 =	sne.s32 s2, $0x0  }
0x148: {  	s3 =	rddreg [dreg:$0x2];
	[bflag:$0x3] =	sbarrier.arrive $0xFFFF;
	s2 =	simm.s32 @!p0 $0x1C07  }
0x149: {  	[timem:s3], [sflag:s2] =	dma.local @!p0 [hbm:s0], s1  }
0x14a: {  	s0 =	simm.s32 @!p0 $0x7  }
0x14b: {  	_ =	swait.ge @!p0 [sflag:s0], s1  }
0x14c: {  	s1 =	ssub.s32 @!p0 $0x0, s1;
	[sflag:s0] =	ssyncset.done @!p0 $0x0  }
0x14d: {  	[sflag:s0] =	ssyncadd.s32 @!p0 s1  }
0x14e: {  	[bflag:$0x3] =	sbarrier.arrive $0xFFFF  }
0x14f: {  	_ =	shalt  }

</sc_bundles>
